<compile_context>
chip_gen: v7x
topology: tpu7x:2x2x1
jax: 0.10.2.dev20260603
libtpu: 0.0.44.dev20260713+nightly
codegen_flags: <defaults>
</compile_context>

<pallas_src>
import jax
import jax.numpy as jnp
from jax import lax
from jax.experimental import pallas as pl
from jax.experimental.pallas import tpu as pltpu
from jax.experimental.pallas import tpu_sc as plsc

K = 16
NSC = 8
NSLAB = 64
GATHERS = 4
WORDROWS = 128


def _sc_body(pred_hbm, words_hbm, cls_hbm, out_hbm,
             cls_v, idx_v, mask_v, eb, part_v, sems):
    c = lax.axis_index("c")
    s = lax.axis_index("s")
    w = s * 2 + c
    p = w // 4
    q = w % 4

    pltpu.sync_copy(cls_hbm, cls_v)
    pltpu.sync_copy(words_hbm.at[pl.ds(w * WORDROWS, WORDROWS)], mask_v)

    lane = lax.iota(jnp.int32, 16)
    cls_splat = plsc.load_gather(cls_v, [jnp.full((16,), p, jnp.int32)])
    slab_ids = cls_splat * NSLAB + q * 16 + lane
    plsc.store_scatter(idx_v, [lane // 4, lane % 4], slab_ids)

    def copy(g):
        par = lax.rem(g, 2)
        return pltpu.make_async_copy(
            pred_hbm.at[idx_v.at[g]],
            eb.at[pl.ds(par * 4, 4)],
            sems.at[par],
        )

    copy(0).start()
    copy(1).start()

    def gather_body(g, carry):
        copy(g).wait()
        half = lax.rem(g, 2) * 4

        def row_body(t, carry):
            sA, sB, cn = carry
            wv = mask_v[g * 32 + t]
            i2 = half + t // 8
            r = t % 8
            for j in range(32):
                e = eb[i2, r, pl.ds(j * 16, 16)]
                msk = (wv & jnp.uint32(1 << j)) != jnp.uint32(0)
                em = jnp.where(msk, e, 0.0)
                sA = sA + em
                sB = sB + em * em
            x = wv - ((wv >> jnp.uint32(1)) & jnp.uint32(0x55555555))
            x = (x & jnp.uint32(0x33333333)) + ((x >> jnp.uint32(2)) & jnp.uint32(0x33333333))
            x = (x + (x >> jnp.uint32(4))) & jnp.uint32(0x0F0F0F0F)
            cn = cn + ((x * jnp.uint32(0x01010101)) >> jnp.uint32(24))
            return (sA, sB, cn)

        carry = lax.fori_loop(0, 32, row_body, carry)

        @pl.when(g + 2 < GATHERS)
        def _next():
            copy(g + 2).start()

        return carry

    zf = jnp.zeros((16,), jnp.float32)
    acc = lax.fori_loop(0, GATHERS, gather_body,
                        (zf, zf, jnp.zeros((16,), jnp.uint32)))

    part_v[0] = acc[0]
    part_v[1] = acc[1]
    part_v[2] = acc[2].astype(jnp.float32)
    pltpu.sync_copy(part_v, out_hbm.at[q * NSC + p])


_sc_call = pl.kernel(
    _sc_body,
    out_type=jax.ShapeDtypeStruct((32, 3, 16), jnp.float32),
    mesh=plsc.VectorSubcoreMesh(core_axis_name="c", subcore_axis_name="s"),
    compiler_params=pltpu.CompilerParams(
        needs_layout_passes=False,
        disable_bounds_checks=True,
        disable_semaphore_checks=True,
        skip_device_barrier=True,
    ),
    scratch_types=[
        pltpu.VMEM((16,), jnp.int32),
        pltpu.VMEM((4, 4), jnp.int32),
        pltpu.VMEM((WORDROWS, 16), jnp.uint32),
        pltpu.VMEM((8, 8, 512), jnp.float32),
        pltpu.VMEM((3, 16), jnp.float32),
        pltpu.SemaphoreType.DMA((2,)),
    ],
)


def _tc_reduce_body(classes_smem, emb_ref, mask_ref, out_ref):
    e = emb_ref[0]
    m = mask_ref[0].astype(jnp.float32)
    em = e * m

    def fold(x):
        return x.sum(axis=0).reshape(4, 128).sum(axis=0)

    out_ref[0, 0] = fold(em)
    out_ref[0, 1] = fold(em * e)
    out_ref[0, 2] = fold(m)


def _tc_partials(cls, pred_emb, mask_u8):
    grid_spec = pltpu.PrefetchScalarGridSpec(
        num_scalar_prefetch=1,
        grid=(K - NSC,),
        in_specs=[
            pl.BlockSpec((1, 512, 512), lambda k, classes: (classes[k + NSC], 0, 0)),
            pl.BlockSpec((1, 512, 512), lambda k, classes: (k, 0, 0)),
        ],
        out_specs=pl.BlockSpec((1, 3, 128), lambda k, classes: (k, 0, 0)),
    )
    return pl.pallas_call(
        _tc_reduce_body,
        grid_spec=grid_spec,
        out_shape=jax.ShapeDtypeStruct((K - NSC, 3, 128), jnp.float32),
    )(cls, pred_emb, mask_u8)


def _finish_body(psc_ref, ptc_ref, cls_ref, out_ref):
    x = psc_ref[0:8] + psc_ref[8:16] + psc_ref[16:24] + psc_ref[24:32]
    s_sc = x[:, 0, :].sum(-1, keepdims=True)
    s2_sc = x[:, 1, :].sum(-1, keepdims=True)
    c_sc = x[:, 2, :].sum(-1, keepdims=True)
    pt = ptc_ref[...]
    s = jnp.concatenate([s_sc, pt[:, 0, :].sum(-1, keepdims=True)], axis=0)
    s2 = jnp.concatenate([s2_sc, pt[:, 1, :].sum(-1, keepdims=True)], axis=0)
    c = jnp.concatenate([c_sc, pt[:, 2, :].sum(-1, keepdims=True)], axis=0)
    safe = jnp.maximum(c, 1.0)
    means = jnp.where(c > 0, s / safe, 0.0)
    var = jnp.where(c > 0, s2 / safe - means * means, 0.0)
    row = jax.lax.broadcasted_iota(jnp.int32, (K, K), 0)
    col = jax.lax.broadcasted_iota(jnp.int32, (K, K), 1)
    eye = (row == col).astype(jnp.float32)
    mcol = jnp.broadcast_to(means, (K, K))
    mrow = (mcol * eye).sum(axis=0, keepdims=True)
    diff = mcol - mrow
    cls = cls_ref[...].astype(jnp.float32)
    ccol = (jnp.broadcast_to(cls, (K, K)) * eye).sum(axis=-1, keepdims=True)
    same = (jnp.broadcast_to(ccol, (K, K)) == cls).astype(jnp.float32)
    triu = (col > row).astype(jnp.float32)
    inter = jnp.sum(jnp.maximum(1.0 - diff * diff, 0.0) * same * triu)
    reg = jnp.mean(means * means)
    intra = jnp.mean(var)
    out_ref[...] = jnp.reshape(inter + reg + intra, (1, 1))


def _pack_body(mask_ref, out_ref):
    col = lax.broadcasted_iota(jnp.int32, (512, 32), 0)
    c2 = lax.broadcasted_iota(jnp.int32, (512, 32), 1)
    j = col // 16
    match = jnp.logical_and(col % 16 == c2 % 16, j // 16 == c2 // 16)
    powf = lax.bitcast_convert_type((j % 16 + 127) << 23, jnp.float32)
    proj = jnp.where(match, powf, 0.0)
    for i in range(NSC):
        m = mask_ref[i].astype(jnp.float32)
        r = jnp.dot(m, proj, preferred_element_type=jnp.float32)
        w = r[:, :16].astype(jnp.int32) | (r[:, 16:].astype(jnp.int32) << 16)
        out_ref[i * 512:(i + 1) * 512] = lax.bitcast_convert_type(w, jnp.uint32)


def _pack_mask(mask_u8):
    return pl.pallas_call(
        _pack_body,
        grid=(1,),
        in_specs=[pl.BlockSpec((NSC, 512, 512), lambda b: (0, 0, 0))],
        out_specs=pl.BlockSpec((NSC * 512, 16), lambda b: (0, 0)),
        out_shape=jax.ShapeDtypeStruct((NSC * 512, 16), jnp.uint32),
    )(mask_u8)


def kernel(pred_emb, gt_objmask, gt_classes):
    cls = gt_classes.astype(jnp.int32)
    pred_view = pred_emb.reshape(80 * NSLAB, 8, 512)
    words = _pack_mask(gt_objmask[:NSC].view(jnp.uint8))
    partials_sc = _sc_call(pred_view, words, cls)
    partials_tc = _tc_partials(cls, pred_emb, gt_objmask[NSC:].view(jnp.uint8))
    loss = pl.pallas_call(
        _finish_body,
        out_shape=jax.ShapeDtypeStruct((1, 1), jnp.float32),
    )(partials_sc, partials_tc, cls[None, :])
    return loss.reshape(1)

# --- scband reference (transcript-rebuilt; emitter-appended) ---
"""Pipeline reference for scband-embedding-loss-49709951484027 (READ-ONLY COPY).

The authoritative reference and input builder live on the scoring server;
editing this copy changes nothing except your own understanding.
"""

import jax, jax.numpy as jnp
import numpy as np


def setup_inputs(seed: int = 0) -> dict:
    key = jax.random.key(seed)
    k1, k2, k3 = jax.random.split(key, 3)
    pred_emb = jax.random.normal(k1, (80, 512, 512), dtype=jnp.float32)
    gt_objmask = jax.random.randint(k2, (16, 512, 512), 0, 2).astype(bool)
    gt_classes = jax.random.randint(k3, (16,), 0, 80).astype(jnp.int64)
    return {"pred_emb": pred_emb, "gt_objmask": gt_objmask, "gt_classes": gt_classes}


def reference(pred_emb, gt_objmask, gt_classes):
    w_intra, w_inter, w_reg = 1.0, 1.0, 1.0
    K = gt_objmask.shape[0]
    # gather per-instance class embedding planes: (K, H, W)
    emb = jnp.take(pred_emb, gt_classes, axis=0)
    m = gt_objmask.astype(jnp.float32)
    cnt = m.sum(axis=(1, 2))
    s = (emb * m).sum(axis=(1, 2))
    safe_cnt = jnp.maximum(cnt, 1.0)
    obj_means = jnp.where(cnt > 0, s / safe_cnt, 0.0)
    s2 = (emb * emb * m).sum(axis=(1, 2))
    # biased variance over masked elements (torch var(unbiased=False))
    loss_intra_var = jnp.where(cnt > 0, s2 / safe_cnt - obj_means ** 2, 0.0)
    # pairwise inter-instance term over j<k with equal class
    diff = obj_means[:, None] - obj_means[None, :]
    same = (gt_classes[:, None] == gt_classes[None, :]).astype(jnp.float32)
    triu = jnp.triu(jnp.ones((K, K), dtype=jnp.float32), k=1)
    loss_inter_diff = (jnp.maximum(1.0 - diff ** 2, 0.0) * same * triu).sum()
    loss_reg = (obj_means ** 2).mean()
    loss = w_inter * loss_inter_diff + w_reg * loss_reg + w_intra * loss_intra_var.mean()
    return loss.reshape(1)

if __name__ == "__main__":
    import jax
    _d = setup_inputs()
    print(jax.jit(kernel)(*tuple(_d.values())))

</pallas_src>

<mosaic_0001>
#map = affine_map<(d0, d1) -> (0, 0, 0)>
#map1 = affine_map<(d0, d1) -> (0, 0)>
#map2 = affine_map<(d0, d1) -> (0)>
module attributes {stable_mosaic.version = 14 : i64} {
  func.func @_sc_body(%arg0: i32, %arg1: i32, %arg2: memref<5120x8x512xf32, #tpu.memory_space<hbm>>, %arg3: memref<4096x16xi32, #tpu.memory_space<hbm>>, %arg4: memref<16xi32, #tpu.memory_space<hbm>>, %arg5: memref<32x3x16xf32, #tpu.memory_space<hbm>>, %arg6: memref<16xi32, #tpu.memory_space<vmem>>, %arg7: memref<4x4xi32, #tpu.memory_space<vmem>>, %arg8: memref<128x16xi32, #tpu.memory_space<vmem>>, %arg9: memref<8x8x512xf32, #tpu.memory_space<vmem>>, %arg10: memref<3x16xf32, #tpu.memory_space<vmem>>, %arg11: memref<2x!tpu.dma_semaphore, #tpu.memory_space<semaphore_mem>>) attributes {dimension_semantics = [#tpu.dimension_semantics<core_parallel>, #tpu.dimension_semantics<subcore_parallel>], iteration_bounds = array<i64: 2, 16>, scalar_prefetch = 0 : i64, scratch_operands = 6 : i64, tpu.core_type = #tpu.core_type<sc_vector_subcore>, window_params = [{transform_indices = #map}, {transform_indices = #map1}, {transform_indices = #map2}, {transform_indices = #map}]} {
    %mul3A = arith.constant 2 : i32
    %mul3A_0 = arith.muli %arg1, %mul3A : i32
    %add3A = arith.addi %mul3A_0, %arg0 : i32
    %jit3A = arith.constant 4 : i32
    %div3A = arith.divsi %add3A, %jit3A : i32
    %sign3A = arith.constant 0 : i32
    %sign3A_1 = arith.cmpi sgt, %add3A, %sign3A : i32
    %sign3A_2 = arith.extui %sign3A_1 : i1 to i32
    %sign3A_3 = arith.constant 0 : i32
    %sign3A_4 = arith.cmpi slt, %add3A, %sign3A_3 : i32
    %sign3A_5 = arith.extui %sign3A_4 : i1 to i32
    %sign3A_6 = arith.subi %sign3A_2, %sign3A_5 : i32
    %sign3A_7 = arith.constant 0 : i32
    %sign3A_8 = arith.cmpi sgt, %jit3A, %sign3A_7 : i32
    %sign3A_9 = arith.extui %sign3A_8 : i1 to i32
    %sign3A_10 = arith.constant 0 : i32
    %sign3A_11 = arith.cmpi slt, %jit3A, %sign3A_10 : i32
    %sign3A_12 = arith.extui %sign3A_11 : i1 to i32
    %sign3A_13 = arith.subi %sign3A_9, %sign3A_12 : i32
    %ne3A = arith.cmpi ne, %sign3A_6, %sign3A_13 : i32
    %rem3A = arith.remsi %add3A, %jit3A : i32
    %ne3A_14 = arith.constant 0 : i32
    %ne3A_15 = arith.cmpi ne, %rem3A, %ne3A_14 : i32
    %and3A = arith.andi %ne3A, %ne3A_15 : i1
    %sub3A = arith.constant 1 : i32
    %sub3A_16 = arith.subi %div3A, %sub3A : i32
    %select_n3A = arith.select %and3A, %sub3A_16, %div3A : i32
    %jit3A_17 = arith.constant 4 : i32
    %eq3A = arith.constant 0 : i32
    %eq3A_18 = arith.cmpi eq, %jit3A_17, %eq3A : i32
    %jit3A_19 = arith.constant 1 : i32
    %select_n3A_20 = arith.select %eq3A_18, %jit3A_19, %jit3A_17 : i32
    %rem3A_21 = arith.remsi %add3A, %select_n3A_20 : i32
    %ne3A_22 = arith.constant 0 : i32
    %ne3A_23 = arith.cmpi ne, %rem3A_21, %ne3A_22 : i32
    %lt3A = arith.constant 0 : i32
    %lt3A_24 = arith.cmpi slt, %rem3A_21, %lt3A : i32
    %lt3A_25 = arith.constant 0 : i32
    %lt3A_26 = arith.cmpi slt, %select_n3A_20, %lt3A_25 : i32
    %ne3A_27 = arith.xori %lt3A_24, %lt3A_26 : i1
    %and3A_28 = arith.andi %ne3A_27, %ne3A_23 : i1
    %add3A_29 = arith.addi %rem3A_21, %select_n3A_20 : i32
    %select_n3A_30 = arith.select %and3A_28, %add3A_29, %rem3A_21 : i32
    "tpu.region"() ({
      %run_scoped3A = tpu.sem_alloc : memref<!tpu.dma_semaphore, #tpu.memory_space<semaphore_mem>>
      tpu.enqueue_dma source(%arg4 : memref<16xi32, #tpu.memory_space<hbm>>) target(%arg6 : memref<16xi32, #tpu.memory_space<vmem>>) target_semaphore(%run_scoped3A : memref<!tpu.dma_semaphore, #tpu.memory_space<semaphore_mem>>)
      tpu.wait_dma2 semaphore(%run_scoped3A : memref<!tpu.dma_semaphore, #tpu.memory_space<semaphore_mem>>) src(%arg4 : memref<16xi32, #tpu.memory_space<hbm>>) dst(%arg6 : memref<16xi32, #tpu.memory_space<vmem>>)
      tpu.yield
    }) : () -> ()
    %mul3A_31 = arith.constant 128 : i32
    %mul3A_32 = arith.muli %add3A, %mul3A_31 : i32
    "tpu.region"() ({
      %run_scoped3A = tpu.sem_alloc : memref<!tpu.dma_semaphore, #tpu.memory_space<semaphore_mem>>
      %dma_start3A_152 = arith.constant 0 : i32
      %dma_start3A_153 = tpu.memref_slice %arg3[%mul3A_32, %dma_start3A_152] : memref<4096x16xi32, #tpu.memory_space<hbm>> -> memref<128x16xi32, #tpu.memory_space<hbm>>
      %dma_start3A_154 = arith.constant 0 : i32
      %dma_start3A_155 = tpu.memref_slice %arg3[%mul3A_32, %dma_start3A_154] : memref<4096x16xi32, #tpu.memory_space<hbm>> -> memref<128x16xi32, #tpu.memory_space<hbm>>
      tpu.enqueue_dma source(%dma_start3A_155 : memref<128x16xi32, #tpu.memory_space<hbm>>) target(%arg8 : memref<128x16xi32, #tpu.memory_space<vmem>>) target_semaphore(%run_scoped3A : memref<!tpu.dma_semaphore, #tpu.memory_space<semaphore_mem>>)
      %dma_wait3A = arith.constant 0 : i32
      %dma_wait3A_156 = tpu.memref_slice %arg3[%mul3A_32, %dma_wait3A] : memref<4096x16xi32, #tpu.memory_space<hbm>> -> memref<128x16xi32, #tpu.memory_space<hbm>>
      %dma_wait3A_157 = arith.constant 0 : i32
      %dma_wait3A_158 = tpu.memref_slice %arg3[%mul3A_32, %dma_wait3A_157] : memref<4096x16xi32, #tpu.memory_space<hbm>> -> memref<128x16xi32, #tpu.memory_space<hbm>>
      tpu.wait_dma2 semaphore(%run_scoped3A : memref<!tpu.dma_semaphore, #tpu.memory_space<semaphore_mem>>) src(%dma_wait3A_158 : memref<128x16xi32, #tpu.memory_space<hbm>>) dst(%arg8 : memref<128x16xi32, #tpu.memory_space<vmem>>)
      tpu.yield
    }) : () -> ()
    %iota3A = tpu.iota {dimensions = array<i32: 0>} : vector<16xi32>
    %broadcast_in_dim3A = vector.broadcast %select_n3A : i32 to vector<16xi32>
    %gather3A = tpu.vector_load_idx %arg6[%broadcast_in_dim3A] : memref<16xi32, #tpu.memory_space<vmem>>[vector<16xi32>], vector<16xi32>,
    %mul3A_33 = arith.constant 64 : i32
    %mul3A_34 = vector.broadcast %mul3A_33 : i32 to vector<16xi32>
    %mul3A_35 = arith.muli %gather3A, %mul3A_34 : vector<16xi32>
    %mul3A_36 = arith.constant 16 : i32
    %mul3A_37 = arith.muli %select_n3A_30, %mul3A_36 : i32
    %add3A_38 = vector.broadcast %mul3A_37 : i32 to vector<16xi32>
    %add3A_39 = arith.addi %mul3A_35, %add3A_38 : vector<16xi32>
    %add3A_40 = arith.addi %add3A_39, %iota3A : vector<16xi32>
    %jit3A_41 = arith.constant 4 : i32
    %div3A_42 = vector.broadcast %jit3A_41 : i32 to vector<16xi32>
    %div3A_43 = arith.divsi %iota3A, %div3A_42 : vector<16xi32>
    %sign3A_44 = arith.constant 0 : i32
    %sign3A_45 = vector.broadcast %sign3A_44 : i32 to vector<16xi32>
    %sign3A_46 = arith.cmpi sgt, %iota3A, %sign3A_45 : vector<16xi32>
    %sign3A_47 = arith.extui %sign3A_46 : vector<16xi1> to vector<16xi32>
    %sign3A_48 = arith.constant 0 : i32
    %sign3A_49 = vector.broadcast %sign3A_48 : i32 to vector<16xi32>
    %sign3A_50 = arith.cmpi slt, %iota3A, %sign3A_49 : vector<16xi32>
    %sign3A_51 = arith.extui %sign3A_50 : vector<16xi1> to vector<16xi32>
    %sign3A_52 = arith.subi %sign3A_47, %sign3A_51 : vector<16xi32>
    %sign3A_53 = arith.constant 0 : i32
    %sign3A_54 = arith.cmpi sgt, %jit3A_41, %sign3A_53 : i32
    %sign3A_55 = arith.extui %sign3A_54 : i1 to i32
    %sign3A_56 = arith.constant 0 : i32
    %sign3A_57 = arith.cmpi slt, %jit3A_41, %sign3A_56 : i32
    %sign3A_58 = arith.extui %sign3A_57 : i1 to i32
    %sign3A_59 = arith.subi %sign3A_55, %sign3A_58 : i32
    %ne3A_60 = vector.broadcast %sign3A_59 : i32 to vector<16xi32>
    %ne3A_61 = arith.cmpi ne, %sign3A_52, %ne3A_60 : vector<16xi32>
    %rem3A_62 = vector.broadcast %jit3A_41 : i32 to vector<16xi32>
    %rem3A_63 = arith.remsi %iota3A, %rem3A_62 : vector<16xi32>
    %ne3A_64 = arith.constant 0 : i32
    %ne3A_65 = vector.broadcast %ne3A_64 : i32 to vector<16xi32>
    %ne3A_66 = arith.cmpi ne, %rem3A_63, %ne3A_65 : vector<16xi32>
    %and3A_67 = arith.andi %ne3A_61, %ne3A_66 : vector<16xi1>
    %sub3A_68 = arith.constant 1 : i32
    %sub3A_69 = vector.broadcast %sub3A_68 : i32 to vector<16xi32>
    %sub3A_70 = arith.subi %div3A_43, %sub3A_69 : vector<16xi32>
    %select_n3A_71 = arith.select %and3A_67, %sub3A_70, %div3A_43 : vector<16xi1>, vector<16xi32>
    %jit3A_72 = arith.constant 4 : i32
    %eq3A_73 = arith.constant 0 : i32
    %eq3A_74 = arith.cmpi eq, %jit3A_72, %eq3A_73 : i32
    %jit3A_75 = arith.constant 1 : i32
    %select_n3A_76 = arith.select %eq3A_74, %jit3A_75, %jit3A_72 : i32
    %rem3A_77 = vector.broadcast %select_n3A_76 : i32 to vector<16xi32>
    %rem3A_78 = arith.remsi %iota3A, %rem3A_77 : vector<16xi32>
    %ne3A_79 = arith.constant 0 : i32
    %ne3A_80 = vector.broadcast %ne3A_79 : i32 to vector<16xi32>
    %ne3A_81 = arith.cmpi ne, %rem3A_78, %ne3A_80 : vector<16xi32>
    %lt3A_82 = arith.constant 0 : i32
    %lt3A_83 = vector.broadcast %lt3A_82 : i32 to vector<16xi32>
    %lt3A_84 = arith.cmpi slt, %rem3A_78, %lt3A_83 : vector<16xi32>
    %lt3A_85 = arith.constant 0 : i32
    %lt3A_86 = arith.cmpi slt, %select_n3A_76, %lt3A_85 : i32
    %ne3A_87 = vector.broadcast %lt3A_86 : i1 to vector<16xi1>
    %ne3A_88 = vector.broadcast %ne3A_87 : vector<16xi1> to vector<16xi1>
    %ne3A_89 = arith.xori %lt3A_84, %ne3A_88 : vector<16xi1>
    %and3A_90 = arith.andi %ne3A_89, %ne3A_81 : vector<16xi1>
    %add3A_91 = vector.broadcast %select_n3A_76 : i32 to vector<16xi32>
    %add3A_92 = arith.addi %rem3A_78, %add3A_91 : vector<16xi32>
    %select_n3A_93 = arith.select %and3A_90, %add3A_92, %rem3A_78 : vector<16xi1>, vector<16xi32>
    tpu.vector_store_idx %arg7[%select_n3A_71, %select_n3A_93], %add3A_40 : memref<4x4xi32, #tpu.memory_space<vmem>>[vector<16xi32>, vector<16xi32>], vector<16xi32>,
    %rem3A_94 = arith.constant 0 : i32
    %rem3A_95 = arith.constant 2 : i32
    %rem3A_96 = arith.remsi %rem3A_94, %rem3A_95 : i32
    %mul3A_97 = arith.constant 4 : i32
    %mul3A_98 = arith.muli %rem3A_96, %mul3A_97 : i32
    %dma_start3A = arith.constant 0 : i32
    %dma_start3A_99 = arith.constant 0 : i32
    %dma_start3A_100 = arith.constant 0 : i32
    %dma_start3A_101 = tpu.memref_slice %arg9[%mul3A_98, %dma_start3A_99, %dma_start3A_100] : memref<8x8x512xf32, #tpu.memory_space<vmem>> -> memref<4x8x512xf32, #tpu.memory_space<vmem>>
    %dma_start3A_102 = arith.constant 0 : i32
    %dma_start3A_103 = tpu.memref_slice %arg7[%dma_start3A, %dma_start3A_102] : memref<4x4xi32, #tpu.memory_space<vmem>> -> memref<1x4xi32, #tpu.memory_space<vmem>>
    %dma_start3A_104 = tpu.memref_squeeze %dma_start3A_103 : memref<1x4xi32, #tpu.memory_space<vmem>> -> memref<4xi32, #tpu.memory_space<vmem>>
    %dma_start3A_105 = arith.constant 0 : i32
    %dma_start3A_106 = arith.constant 0 : i32
    %dma_start3A_107 = arith.constant 0 : i32
    %dma_start3A_108 = tpu.memref_slice %arg2[%dma_start3A_105, %dma_start3A_106, %dma_start3A_107] : memref<5120x8x512xf32, #tpu.memory_space<hbm>> -> memref<5120x8x512xf32, #tpu.memory_space<hbm>>
    %dma_start3A_109 = tpu.memref_slice %arg11[%rem3A_96] : memref<2x!tpu.dma_semaphore, #tpu.memory_space<semaphore_mem>> -> memref<1x!tpu.dma_semaphore, #tpu.memory_space<semaphore_mem>>
    %dma_start3A_110 = tpu.memref_squeeze %dma_start3A_109 : memref<1x!tpu.dma_semaphore, #tpu.memory_space<semaphore_mem>> -> memref<!tpu.dma_semaphore, #tpu.memory_space<semaphore_mem>>
    tpu.enqueue_indirect_dma source(%dma_start3A_108 : memref<5120x8x512xf32, #tpu.memory_space<hbm>>) target(%dma_start3A_101 : memref<4x8x512xf32, #tpu.memory_space<vmem>>) offsets(%dma_start3A_104 : memref<4xi32, #tpu.memory_space<vmem>>) semaphore(%dma_start3A_110 : memref<!tpu.dma_semaphore, #tpu.memory_space<semaphore_mem>>)
    %rem3A_111 = arith.constant 1 : i32
    %rem3A_112 = arith.constant 2 : i32
    %rem3A_113 = arith.remsi %rem3A_111, %rem3A_112 : i32
    %mul3A_114 = arith.constant 4 : i32
    %mul3A_115 = arith.muli %rem3A_113, %mul3A_114 : i32
    %dma_start3A_116 = arith.constant 1 : i32
    %dma_start3A_117 = arith.constant 0 : i32
    %dma_start3A_118 = arith.constant 0 : i32
    %dma_start3A_119 = tpu.memref_slice %arg9[%mul3A_115, %dma_start3A_117, %dma_start3A_118] : memref<8x8x512xf32, #tpu.memory_space<vmem>> -> memref<4x8x512xf32, #tpu.memory_space<vmem>>
    %dma_start3A_120 = arith.constant 0 : i32
    %dma_start3A_121 = tpu.memref_slice %arg7[%dma_start3A_116, %dma_start3A_120] : memref<4x4xi32, #tpu.memory_space<vmem>> -> memref<1x4xi32, #tpu.memory_space<vmem>>
    %dma_start3A_122 = tpu.memref_squeeze %dma_start3A_121 : memref<1x4xi32, #tpu.memory_space<vmem>> -> memref<4xi32, #tpu.memory_space<vmem>>
    %dma_start3A_123 = arith.constant 0 : i32
    %dma_start3A_124 = arith.constant 0 : i32
    %dma_start3A_125 = arith.constant 0 : i32
    %dma_start3A_126 = tpu.memref_slice %arg2[%dma_start3A_123, %dma_start3A_124, %dma_start3A_125] : memref<5120x8x512xf32, #tpu.memory_space<hbm>> -> memref<5120x8x512xf32, #tpu.memory_space<hbm>>
    %dma_start3A_127 = tpu.memref_slice %arg11[%rem3A_113] : memref<2x!tpu.dma_semaphore, #tpu.memory_space<semaphore_mem>> -> memref<1x!tpu.dma_semaphore, #tpu.memory_space<semaphore_mem>>
    %dma_start3A_128 = tpu.memref_squeeze %dma_start3A_127 : memref<1x!tpu.dma_semaphore, #tpu.memory_space<semaphore_mem>> -> memref<!tpu.dma_semaphore, #tpu.memory_space<semaphore_mem>>
    tpu.enqueue_indirect_dma source(%dma_start3A_126 : memref<5120x8x512xf32, #tpu.memory_space<hbm>>) target(%dma_start3A_119 : memref<4x8x512xf32, #tpu.memory_space<vmem>>) offsets(%dma_start3A_122 : memref<4xi32, #tpu.memory_space<vmem>>) semaphore(%dma_start3A_128 : memref<!tpu.dma_semaphore, #tpu.memory_space<semaphore_mem>>)
    %broadcast_in_dim3A_129 = arith.constant 0.000000e+00 : f32
    %broadcast_in_dim3A_130 = vector.broadcast %broadcast_in_dim3A_129 : f32 to vector<16xf32>
    %broadcast_in_dim3A_131 = arith.constant 0 : i32
    %broadcast_in_dim3A_132 = vector.broadcast %broadcast_in_dim3A_131 : i32 to vector<16xi32>
    %scan3A = arith.constant 0 : i32
    %scan3A_133 = arith.constant 4 : i32
    %scan3A_134 = arith.addi %scan3A, %scan3A_133 : i32
    %scan3A_135 = arith.constant 1 : i32
    %scan3A_136:3 = scf.for %scan3A_152 = %scan3A to %scan3A_134 step %scan3A_135 iter_args(%scan3A_153 = %broadcast_in_dim3A_130, %scan3A_154 = %broadcast_in_dim3A_130, %scan3A_155 = %broadcast_in_dim3A_132) -> (vector<16xf32>, vector<16xf32>, vector<16xi32>)  : i32 {
      %rem3A_156 = arith.constant 2 : i32
      %rem3A_157 = arith.remsi %scan3A_152, %rem3A_156 : i32
      %mul3A_158 = arith.constant 4 : i32
      %mul3A_159 = arith.muli %rem3A_157, %mul3A_158 : i32
      %dma_wait3A = arith.constant 0 : i32
      %dma_wait3A_160 = arith.constant 0 : i32
      %dma_wait3A_161 = tpu.memref_slice %arg9[%mul3A_159, %dma_wait3A, %dma_wait3A_160] : memref<8x8x512xf32, #tpu.memory_space<vmem>> -> memref<4x8x512xf32, #tpu.memory_space<vmem>>
      %dma_wait3A_162 = arith.constant 0 : i32
      %dma_wait3A_163 = tpu.memref_slice %arg7[%scan3A_152, %dma_wait3A_162] : memref<4x4xi32, #tpu.memory_space<vmem>> -> memref<1x4xi32, #tpu.memory_space<vmem>>
      %dma_wait3A_164 = tpu.memref_squeeze %dma_wait3A_163 : memref<1x4xi32, #tpu.memory_space<vmem>> -> memref<4xi32, #tpu.memory_space<vmem>>
      %dma_wait3A_165 = arith.constant 0 : i32
      %dma_wait3A_166 = arith.constant 0 : i32
      %dma_wait3A_167 = arith.constant 0 : i32
      %dma_wait3A_168 = tpu.memref_slice %arg2[%dma_wait3A_165, %dma_wait3A_166, %dma_wait3A_167] : memref<5120x8x512xf32, #tpu.memory_space<hbm>> -> memref<5120x8x512xf32, #tpu.memory_space<hbm>>
      %dma_wait3A_169 = tpu.memref_slice %arg11[%rem3A_157] : memref<2x!tpu.dma_semaphore, #tpu.memory_space<semaphore_mem>> -> memref<1x!tpu.dma_semaphore, #tpu.memory_space<semaphore_mem>>
      %dma_wait3A_170 = tpu.memref_squeeze %dma_wait3A_169 : memref<1x!tpu.dma_semaphore, #tpu.memory_space<semaphore_mem>> -> memref<!tpu.dma_semaphore, #tpu.memory_space<semaphore_mem>>
      tpu.wait_indirect_dma semaphore(%dma_wait3A_170 : memref<!tpu.dma_semaphore, #tpu.memory_space<semaphore_mem>>) src(%dma_wait3A_168 : memref<5120x8x512xf32, #tpu.memory_space<hbm>>) dst(%dma_wait3A_161 : memref<4x8x512xf32, #tpu.memory_space<vmem>>)
      %rem3A_171 = arith.constant 2 : i32
      %rem3A_172 = arith.remsi %scan3A_152, %rem3A_171 : i32
      %mul3A_173 = arith.constant 4 : i32
      %mul3A_174 = arith.muli %rem3A_172, %mul3A_173 : i32
      %scan3A_175 = arith.constant 0 : i32
      %scan3A_176 = arith.constant 32 : i32
      %scan3A_177 = arith.addi %scan3A_175, %scan3A_176 : i32
      %scan3A_178 = arith.constant 1 : i32
      %scan3A_179:3 = scf.for %scan3A_187 = %scan3A_175 to %scan3A_177 step %scan3A_178 iter_args(%scan3A_188 = %scan3A_153, %scan3A_189 = %scan3A_154, %scan3A_190 = %scan3A_155) -> (vector<16xf32>, vector<16xf32>, vector<16xi32>)  : i32 {
        %mul3A_191 = arith.constant 32 : i32
        %mul3A_192 = arith.muli %scan3A_152, %mul3A_191 : i32
        %add3A_193 = arith.addi %mul3A_192, %scan3A_187 : i32
        %get3A = arith.index_cast %add3A_193 : i32 to index
        %get3A_194 = arith.constant 0 : index
        %get3A_195 = tpu.vector_load %arg8[%get3A, %get3A_194] {strides = array<i32>} : memref<128x16xi32, #tpu.memory_space<vmem>>, vector<16xi32>,
        %jit3A_196 = arith.constant 8 : i32
        %div3A_197 = arith.divsi %scan3A_187, %jit3A_196 : i32
        %sign3A_198 = arith.constant 0 : i32
        %sign3A_199 = arith.cmpi sgt, %scan3A_187, %sign3A_198 : i32
        %sign3A_200 = arith.extui %sign3A_199 : i1 to i32
        %sign3A_201 = arith.constant 0 : i32
        %sign3A_202 = arith.cmpi slt, %scan3A_187, %sign3A_201 : i32
        %sign3A_203 = arith.extui %sign3A_202 : i1 to i32
        %sign3A_204 = arith.subi %sign3A_200, %sign3A_203 : i32
        %sign3A_205 = arith.constant 0 : i32
        %sign3A_206 = arith.cmpi sgt, %jit3A_196, %sign3A_205 : i32
        %sign3A_207 = arith.extui %sign3A_206 : i1 to i32
        %sign3A_208 = arith.constant 0 : i32
        %sign3A_209 = arith.cmpi slt, %jit3A_196, %sign3A_208 : i32
        %sign3A_210 = arith.extui %sign3A_209 : i1 to i32
        %sign3A_211 = arith.subi %sign3A_207, %sign3A_210 : i32
        %ne3A_212 = arith.cmpi ne, %sign3A_204, %sign3A_211 : i32
        %rem3A_213 = arith.remsi %scan3A_187, %jit3A_196 : i32
        %ne3A_214 = arith.constant 0 : i32
        %ne3A_215 = arith.cmpi ne, %rem3A_213, %ne3A_214 : i32
        %and3A_216 = arith.andi %ne3A_212, %ne3A_215 : i1
        %sub3A_217 = arith.constant 1 : i32
        %sub3A_218 = arith.subi %div3A_197, %sub3A_217 : i32
        %select_n3A_219 = arith.select %and3A_216, %sub3A_218, %div3A_197 : i32
        %add3A_220 = arith.addi %mul3A_174, %select_n3A_219 : i32
        %jit3A_221 = arith.constant 8 : i32
        %eq3A_222 = arith.constant 0 : i32
        %eq3A_223 = arith.cmpi eq, %jit3A_221, %eq3A_222 : i32
        %jit3A_224 = arith.constant 1 : i32
        %select_n3A_225 = arith.select %eq3A_223, %jit3A_224, %jit3A_221 : i32
        %rem3A_226 = arith.remsi %scan3A_187, %select_n3A_225 : i32
        %ne3A_227 = arith.constant 0 : i32
        %ne3A_228 = arith.cmpi ne, %rem3A_226, %ne3A_227 : i32
        %lt3A_229 = arith.constant 0 : i32
        %lt3A_230 = arith.cmpi slt, %rem3A_226, %lt3A_229 : i32
        %lt3A_231 = arith.constant 0 : i32
        %lt3A_232 = arith.cmpi slt, %select_n3A_225, %lt3A_231 : i32
        %ne3A_233 = arith.xori %lt3A_230, %lt3A_232 : i1
        %and3A_234 = arith.andi %ne3A_233, %ne3A_228 : i1
        %add3A_235 = arith.addi %rem3A_226, %select_n3A_225 : i32
        %select_n3A_236 = arith.select %and3A_234, %add3A_235, %rem3A_226 : i32
        %get3A_237 = arith.index_cast %add3A_220 : i32 to index
        %get3A_238 = arith.index_cast %select_n3A_236 : i32 to index
        %get3A_239 = arith.constant 0 : index
        %get3A_240 = tpu.vector_load %arg9[%get3A_237, %get3A_238, %get3A_239] {strides = array<i32>} : memref<8x8x512xf32, #tpu.memory_space<vmem>>, vector<16xf32>,
        %and3A_241 = arith.constant 1 : i32
        %and3A_242 = vector.broadcast %and3A_241 : i32 to vector<16xi32>
        %and3A_243 = arith.andi %get3A_195, %and3A_242 : vector<16xi32>
        %ne3A_244 = arith.constant 0 : i32
        %ne3A_245 = vector.broadcast %ne3A_244 : i32 to vector<16xi32>
        %ne3A_246 = arith.cmpi ne, %and3A_243, %ne3A_245 : vector<16xi32>
        %jit3A_247 = arith.constant 0.000000e+00 : f32
        %broadcast_in_dim3A_248 = vector.broadcast %jit3A_247 : f32 to vector<16xf32>
        %select_n3A_249 = arith.select %ne3A_246, %get3A_240, %broadcast_in_dim3A_248 : vector<16xi1>, vector<16xf32>
        %add3A_250 = arith.addf %scan3A_188, %select_n3A_249 : vector<16xf32>
        %mul3A_251 = arith.mulf %select_n3A_249, %select_n3A_249 : vector<16xf32>
        %add3A_252 = arith.addf %scan3A_189, %mul3A_251 : vector<16xf32>
        %get3A_253 = arith.index_cast %add3A_220 : i32 to index
        %get3A_254 = arith.index_cast %select_n3A_236 : i32 to index
        %get3A_255 = arith.constant 16 : index
        %get3A_256 = tpu.vector_load %arg9[%get3A_253, %get3A_254, %get3A_255] {strides = array<i32>} : memref<8x8x512xf32, #tpu.memory_space<vmem>>, vector<16xf32>,
        %and3A_257 = arith.constant 2 : i32
        %and3A_258 = vector.broadcast %and3A_257 : i32 to vector<16xi32>
        %and3A_259 = arith.andi %get3A_195, %and3A_258 : vector<16xi32>
        %ne3A_260 = arith.constant 0 : i32
        %ne3A_261 = vector.broadcast %ne3A_260 : i32 to vector<16xi32>
        %ne3A_262 = arith.cmpi ne, %and3A_259, %ne3A_261 : vector<16xi32>
        %jit3A_263 = arith.constant 0.000000e+00 : f32
        %broadcast_in_dim3A_264 = vector.broadcast %jit3A_263 : f32 to vector<16xf32>
        %select_n3A_265 = arith.select %ne3A_262, %get3A_256, %broadcast_in_dim3A_264 : vector<16xi1>, vector<16xf32>
        %add3A_266 = arith.addf %add3A_250, %select_n3A_265 : vector<16xf32>
        %mul3A_267 = arith.mulf %select_n3A_265, %select_n3A_265 : vector<16xf32>
        %add3A_268 = arith.addf %add3A_252, %mul3A_267 : vector<16xf32>
        %get3A_269 = arith.index_cast %add3A_220 : i32 to index
        %get3A_270 = arith.index_cast %select_n3A_236 : i32 to index
        %get3A_271 = arith.constant 32 : index
        %get3A_272 = tpu.vector_load %arg9[%get3A_269, %get3A_270, %get3A_271] {strides = array<i32>} : memref<8x8x512xf32, #tpu.memory_space<vmem>>, vector<16xf32>,
        %and3A_273 = arith.constant 4 : i32
        %and3A_274 = vector.broadcast %and3A_273 : i32 to vector<16xi32>
        %and3A_275 = arith.andi %get3A_195, %and3A_274 : vector<16xi32>
        %ne3A_276 = arith.constant 0 : i32
        %ne3A_277 = vector.broadcast %ne3A_276 : i32 to vector<16xi32>
        %ne3A_278 = arith.cmpi ne, %and3A_275, %ne3A_277 : vector<16xi32>
        %jit3A_279 = arith.constant 0.000000e+00 : f32
        %broadcast_in_dim3A_280 = vector.broadcast %jit3A_279 : f32 to vector<16xf32>
        %select_n3A_281 = arith.select %ne3A_278, %get3A_272, %broadcast_in_dim3A_280 : vector<16xi1>, vector<16xf32>
        %add3A_282 = arith.addf %add3A_266, %select_n3A_281 : vector<16xf32>
        %mul3A_283 = arith.mulf %select_n3A_281, %select_n3A_281 : vector<16xf32>
        %add3A_284 = arith.addf %add3A_268, %mul3A_283 : vector<16xf32>
        %get3A_285 = arith.index_cast %add3A_220 : i32 to index
        %get3A_286 = arith.index_cast %select_n3A_236 : i32 to index
        %get3A_287 = arith.constant 48 : index
        %get3A_288 = tpu.vector_load %arg9[%get3A_285, %get3A_286, %get3A_287] {strides = array<i32>} : memref<8x8x512xf32, #tpu.memory_space<vmem>>, vector<16xf32>,
        %and3A_289 = arith.constant 8 : i32
        %and3A_290 = vector.broadcast %and3A_289 : i32 to vector<16xi32>
        %and3A_291 = arith.andi %get3A_195, %and3A_290 : vector<16xi32>
        %ne3A_292 = arith.constant 0 : i32
        %ne3A_293 = vector.broadcast %ne3A_292 : i32 to vector<16xi32>
        %ne3A_294 = arith.cmpi ne, %and3A_291, %ne3A_293 : vector<16xi32>
        %jit3A_295 = arith.constant 0.000000e+00 : f32
        %broadcast_in_dim3A_296 = vector.broadcast %jit3A_295 : f32 to vector<16xf32>
        %select_n3A_297 = arith.select %ne3A_294, %get3A_288, %broadcast_in_dim3A_296 : vector<16xi1>, vector<16xf32>
        %add3A_298 = arith.addf %add3A_282, %select_n3A_297 : vector<16xf32>
        %mul3A_299 = arith.mulf %select_n3A_297, %select_n3A_297 : vector<16xf32>
        %add3A_300 = arith.addf %add3A_284, %mul3A_299 : vector<16xf32>
        %get3A_301 = arith.index_cast %add3A_220 : i32 to index
        %get3A_302 = arith.index_cast %select_n3A_236 : i32 to index
        %get3A_303 = arith.constant 64 : index
        %get3A_304 = tpu.vector_load %arg9[%get3A_301, %get3A_302, %get3A_303] {strides = array<i32>} : memref<8x8x512xf32, #tpu.memory_space<vmem>>, vector<16xf32>,
        %and3A_305 = arith.constant 16 : i32
        %and3A_306 = vector.broadcast %and3A_305 : i32 to vector<16xi32>
        %and3A_307 = arith.andi %get3A_195, %and3A_306 : vector<16xi32>
        %ne3A_308 = arith.constant 0 : i32
        %ne3A_309 = vector.broadcast %ne3A_308 : i32 to vector<16xi32>
        %ne3A_310 = arith.cmpi ne, %and3A_307, %ne3A_309 : vector<16xi32>
        %jit3A_311 = arith.constant 0.000000e+00 : f32
        %broadcast_in_dim3A_312 = vector.broadcast %jit3A_311 : f32 to vector<16xf32>
        %select_n3A_313 = arith.select %ne3A_310, %get3A_304, %broadcast_in_dim3A_312 : vector<16xi1>, vector<16xf32>
        %add3A_314 = arith.addf %add3A_298, %select_n3A_313 : vector<16xf32>
        %mul3A_315 = arith.mulf %select_n3A_313, %select_n3A_313 : vector<16xf32>
        %add3A_316 = arith.addf %add3A_300, %mul3A_315 : vector<16xf32>
        %get3A_317 = arith.index_cast %add3A_220 : i32 to index
        %get3A_318 = arith.index_cast %select_n3A_236 : i32 to index
        %get3A_319 = arith.constant 80 : index
        %get3A_320 = tpu.vector_load %arg9[%get3A_317, %get3A_318, %get3A_319] {strides = array<i32>} : memref<8x8x512xf32, #tpu.memory_space<vmem>>, vector<16xf32>,
        %and3A_321 = arith.constant 32 : i32
        %and3A_322 = vector.broadcast %and3A_321 : i32 to vector<16xi32>
        %and3A_323 = arith.andi %get3A_195, %and3A_322 : vector<16xi32>
        %ne3A_324 = arith.constant 0 : i32
        %ne3A_325 = vector.broadcast %ne3A_324 : i32 to vector<16xi32>
        %ne3A_326 = arith.cmpi ne, %and3A_323, %ne3A_325 : vector<16xi32>
        %jit3A_327 = arith.constant 0.000000e+00 : f32
        %broadcast_in_dim3A_328 = vector.broadcast %jit3A_327 : f32 to vector<16xf32>
        %select_n3A_329 = arith.select %ne3A_326, %get3A_320, %broadcast_in_dim3A_328 : vector<16xi1>, vector<16xf32>
        %add3A_330 = arith.addf %add3A_314, %select_n3A_329 : vector<16xf32>
        %mul3A_331 = arith.mulf %select_n3A_329, %select_n3A_329 : vector<16xf32>
        %add3A_332 = arith.addf %add3A_316, %mul3A_331 : vector<16xf32>
        %get3A_333 = arith.index_cast %add3A_220 : i32 to index
        %get3A_334 = arith.index_cast %select_n3A_236 : i32 to index
        %get3A_335 = arith.constant 96 : index
        %get3A_336 = tpu.vector_load %arg9[%get3A_333, %get3A_334, %get3A_335] {strides = array<i32>} : memref<8x8x512xf32, #tpu.memory_space<vmem>>, vector<16xf32>,
        %and3A_337 = arith.constant 64 : i32
        %and3A_338 = vector.broadcast %and3A_337 : i32 to vector<16xi32>
        %and3A_339 = arith.andi %get3A_195, %and3A_338 : vector<16xi32>
        %ne3A_340 = arith.constant 0 : i32
        %ne3A_341 = vector.broadcast %ne3A_340 : i32 to vector<16xi32>
        %ne3A_342 = arith.cmpi ne, %and3A_339, %ne3A_341 : vector<16xi32>
        %jit3A_343 = arith.constant 0.000000e+00 : f32
        %broadcast_in_dim3A_344 = vector.broadcast %jit3A_343 : f32 to vector<16xf32>
        %select_n3A_345 = arith.select %ne3A_342, %get3A_336, %broadcast_in_dim3A_344 : vector<16xi1>, vector<16xf32>
        %add3A_346 = arith.addf %add3A_330, %select_n3A_345 : vector<16xf32>
        %mul3A_347 = arith.mulf %select_n3A_345, %select_n3A_345 : vector<16xf32>
        %add3A_348 = arith.addf %add3A_332, %mul3A_347 : vector<16xf32>
        %get3A_349 = arith.index_cast %add3A_220 : i32 to index
        %get3A_350 = arith.index_cast %select_n3A_236 : i32 to index
        %get3A_351 = arith.constant 112 : index
        %get3A_352 = tpu.vector_load %arg9[%get3A_349, %get3A_350, %get3A_351] {strides = array<i32>} : memref<8x8x512xf32, #tpu.memory_space<vmem>>, vector<16xf32>,
        %and3A_353 = arith.constant 128 : i32
        %and3A_354 = vector.broadcast %and3A_353 : i32 to vector<16xi32>
        %and3A_355 = arith.andi %get3A_195, %and3A_354 : vector<16xi32>
        %ne3A_356 = arith.constant 0 : i32
        %ne3A_357 = vector.broadcast %ne3A_356 : i32 to vector<16xi32>
        %ne3A_358 = arith.cmpi ne, %and3A_355, %ne3A_357 : vector<16xi32>
        %jit3A_359 = arith.constant 0.000000e+00 : f32
        %broadcast_in_dim3A_360 = vector.broadcast %jit3A_359 : f32 to vector<16xf32>
        %select_n3A_361 = arith.select %ne3A_358, %get3A_352, %broadcast_in_dim3A_360 : vector<16xi1>, vector<16xf32>
        %add3A_362 = arith.addf %add3A_346, %select_n3A_361 : vector<16xf32>
        %mul3A_363 = arith.mulf %select_n3A_361, %select_n3A_361 : vector<16xf32>
        %add3A_364 = arith.addf %add3A_348, %mul3A_363 : vector<16xf32>
        %get3A_365 = arith.index_cast %add3A_220 : i32 to index
        %get3A_366 = arith.index_cast %select_n3A_236 : i32 to index
        %get3A_367 = arith.constant 128 : index
        %get3A_368 = tpu.vector_load %arg9[%get3A_365, %get3A_366, %get3A_367] {strides = array<i32>} : memref<8x8x512xf32, #tpu.memory_space<vmem>>, vector<16xf32>,
        %and3A_369 = arith.constant 256 : i32
        %and3A_370 = vector.broadcast %and3A_369 : i32 to vector<16xi32>
        %and3A_371 = arith.andi %get3A_195, %and3A_370 : vector<16xi32>
        %ne3A_372 = arith.constant 0 : i32
        %ne3A_373 = vector.broadcast %ne3A_372 : i32 to vector<16xi32>
        %ne3A_374 = arith.cmpi ne, %and3A_371, %ne3A_373 : vector<16xi32>
        %jit3A_375 = arith.constant 0.000000e+00 : f32
        %broadcast_in_dim3A_376 = vector.broadcast %jit3A_375 : f32 to vector<16xf32>
        %select_n3A_377 = arith.select %ne3A_374, %get3A_368, %broadcast_in_dim3A_376 : vector<16xi1>, vector<16xf32>
        %add3A_378 = arith.addf %add3A_362, %select_n3A_377 : vector<16xf32>
        %mul3A_379 = arith.mulf %select_n3A_377, %select_n3A_377 : vector<16xf32>
        %add3A_380 = arith.addf %add3A_364, %mul3A_379 : vector<16xf32>
        %get3A_381 = arith.index_cast %add3A_220 : i32 to index
        %get3A_382 = arith.index_cast %select_n3A_236 : i32 to index
        %get3A_383 = arith.constant 144 : index
        %get3A_384 = tpu.vector_load %arg9[%get3A_381, %get3A_382, %get3A_383] {strides = array<i32>} : memref<8x8x512xf32, #tpu.memory_space<vmem>>, vector<16xf32>,
        %and3A_385 = arith.constant 512 : i32
        %and3A_386 = vector.broadcast %and3A_385 : i32 to vector<16xi32>
        %and3A_387 = arith.andi %get3A_195, %and3A_386 : vector<16xi32>
        %ne3A_388 = arith.constant 0 : i32
        %ne3A_389 = vector.broadcast %ne3A_388 : i32 to vector<16xi32>
        %ne3A_390 = arith.cmpi ne, %and3A_387, %ne3A_389 : vector<16xi32>
        %jit3A_391 = arith.constant 0.000000e+00 : f32
        %broadcast_in_dim3A_392 = vector.broadcast %jit3A_391 : f32 to vector<16xf32>
        %select_n3A_393 = arith.select %ne3A_390, %get3A_384, %broadcast_in_dim3A_392 : vector<16xi1>, vector<16xf32>
        %add3A_394 = arith.addf %add3A_378, %select_n3A_393 : vector<16xf32>
        %mul3A_395 = arith.mulf %select_n3A_393, %select_n3A_393 : vector<16xf32>
        %add3A_396 = arith.addf %add3A_380, %mul3A_395 : vector<16xf32>
        %get3A_397 = arith.index_cast %add3A_220 : i32 to index
        %get3A_398 = arith.index_cast %select_n3A_236 : i32 to index
        %get3A_399 = arith.constant 160 : index
        %get3A_400 = tpu.vector_load %arg9[%get3A_397, %get3A_398, %get3A_399] {strides = array<i32>} : memref<8x8x512xf32, #tpu.memory_space<vmem>>, vector<16xf32>,
        %and3A_401 = arith.constant 1024 : i32
        %and3A_402 = vector.broadcast %and3A_401 : i32 to vector<16xi32>
        %and3A_403 = arith.andi %get3A_195, %and3A_402 : vector<16xi32>
        %ne3A_404 = arith.constant 0 : i32
        %ne3A_405 = vector.broadcast %ne3A_404 : i32 to vector<16xi32>
        %ne3A_406 = arith.cmpi ne, %and3A_403, %ne3A_405 : vector<16xi32>
        %jit3A_407 = arith.constant 0.000000e+00 : f32
        %broadcast_in_dim3A_408 = vector.broadcast %jit3A_407 : f32 to vector<16xf32>
        %select_n3A_409 = arith.select %ne3A_406, %get3A_400, %broadcast_in_dim3A_408 : vector<16xi1>, vector<16xf32>
        %add3A_410 = arith.addf %add3A_394, %select_n3A_409 : vector<16xf32>
        %mul3A_411 = arith.mulf %select_n3A_409, %select_n3A_409 : vector<16xf32>
        %add3A_412 = arith.addf %add3A_396, %mul3A_411 : vector<16xf32>
        %get3A_413 = arith.index_cast %add3A_220 : i32 to index
        %get3A_414 = arith.index_cast %select_n3A_236 : i32 to index
        %get3A_415 = arith.constant 176 : index
        %get3A_416 = tpu.vector_load %arg9[%get3A_413, %get3A_414, %get3A_415] {strides = array<i32>} : memref<8x8x512xf32, #tpu.memory_space<vmem>>, vector<16xf32>,
        %and3A_417 = arith.constant 2048 : i32
        %and3A_418 = vector.broadcast %and3A_417 : i32 to vector<16xi32>
        %and3A_419 = arith.andi %get3A_195, %and3A_418 : vector<16xi32>
        %ne3A_420 = arith.constant 0 : i32
        %ne3A_421 = vector.broadcast %ne3A_420 : i32 to vector<16xi32>
        %ne3A_422 = arith.cmpi ne, %and3A_419, %ne3A_421 : vector<16xi32>
        %jit3A_423 = arith.constant 0.000000e+00 : f32
        %broadcast_in_dim3A_424 = vector.broadcast %jit3A_423 : f32 to vector<16xf32>
        %select_n3A_425 = arith.select %ne3A_422, %get3A_416, %broadcast_in_dim3A_424 : vector<16xi1>, vector<16xf32>
        %add3A_426 = arith.addf %add3A_410, %select_n3A_425 : vector<16xf32>
        %mul3A_427 = arith.mulf %select_n3A_425, %select_n3A_425 : vector<16xf32>
        %add3A_428 = arith.addf %add3A_412, %mul3A_427 : vector<16xf32>
        %get3A_429 = arith.index_cast %add3A_220 : i32 to index
        %get3A_430 = arith.index_cast %select_n3A_236 : i32 to index
        %get3A_431 = arith.constant 192 : index
        %get3A_432 = tpu.vector_load %arg9[%get3A_429, %get3A_430, %get3A_431] {strides = array<i32>} : memref<8x8x512xf32, #tpu.memory_space<vmem>>, vector<16xf32>,
        %and3A_433 = arith.constant 4096 : i32
        %and3A_434 = vector.broadcast %and3A_433 : i32 to vector<16xi32>
        %and3A_435 = arith.andi %get3A_195, %and3A_434 : vector<16xi32>
        %ne3A_436 = arith.constant 0 : i32
        %ne3A_437 = vector.broadcast %ne3A_436 : i32 to vector<16xi32>
        %ne3A_438 = arith.cmpi ne, %and3A_435, %ne3A_437 : vector<16xi32>
        %jit3A_439 = arith.constant 0.000000e+00 : f32
        %broadcast_in_dim3A_440 = vector.broadcast %jit3A_439 : f32 to vector<16xf32>
        %select_n3A_441 = arith.select %ne3A_438, %get3A_432, %broadcast_in_dim3A_440 : vector<16xi1>, vector<16xf32>
        %add3A_442 = arith.addf %add3A_426, %select_n3A_441 : vector<16xf32>
        %mul3A_443 = arith.mulf %select_n3A_441, %select_n3A_441 : vector<16xf32>
        %add3A_444 = arith.addf %add3A_428, %mul3A_443 : vector<16xf32>
        %get3A_445 = arith.index_cast %add3A_220 : i32 to index
        %get3A_446 = arith.index_cast %select_n3A_236 : i32 to index
        %get3A_447 = arith.constant 208 : index
        %get3A_448 = tpu.vector_load %arg9[%get3A_445, %get3A_446, %get3A_447] {strides = array<i32>} : memref<8x8x512xf32, #tpu.memory_space<vmem>>, vector<16xf32>,
        %and3A_449 = arith.constant 8192 : i32
        %and3A_450 = vector.broadcast %and3A_449 : i32 to vector<16xi32>
        %and3A_451 = arith.andi %get3A_195, %and3A_450 : vector<16xi32>
        %ne3A_452 = arith.constant 0 : i32
        %ne3A_453 = vector.broadcast %ne3A_452 : i32 to vector<16xi32>
        %ne3A_454 = arith.cmpi ne, %and3A_451, %ne3A_453 : vector<16xi32>
        %jit3A_455 = arith.constant 0.000000e+00 : f32
        %broadcast_in_dim3A_456 = vector.broadcast %jit3A_455 : f32 to vector<16xf32>
        %select_n3A_457 = arith.select %ne3A_454, %get3A_448, %broadcast_in_dim3A_456 : vector<16xi1>, vector<16xf32>
        %add3A_458 = arith.addf %add3A_442, %select_n3A_457 : vector<16xf32>
        %mul3A_459 = arith.mulf %select_n3A_457, %select_n3A_457 : vector<16xf32>
        %add3A_460 = arith.addf %add3A_444, %mul3A_459 : vector<16xf32>
        %get3A_461 = arith.index_cast %add3A_220 : i32 to index
        %get3A_462 = arith.index_cast %select_n3A_236 : i32 to index
        %get3A_463 = arith.constant 224 : index
        %get3A_464 = tpu.vector_load %arg9[%get3A_461, %get3A_462, %get3A_463] {strides = array<i32>} : memref<8x8x512xf32, #tpu.memory_space<vmem>>, vector<16xf32>,
        %and3A_465 = arith.constant 16384 : i32
        %and3A_466 = vector.broadcast %and3A_465 : i32 to vector<16xi32>
        %and3A_467 = arith.andi %get3A_195, %and3A_466 : vector<16xi32>
        %ne3A_468 = arith.constant 0 : i32
        %ne3A_469 = vector.broadcast %ne3A_468 : i32 to vector<16xi32>
        %ne3A_470 = arith.cmpi ne, %and3A_467, %ne3A_469 : vector<16xi32>
        %jit3A_471 = arith.constant 0.000000e+00 : f32
        %broadcast_in_dim3A_472 = vector.broadcast %jit3A_471 : f32 to vector<16xf32>
        %select_n3A_473 = arith.select %ne3A_470, %get3A_464, %broadcast_in_dim3A_472 : vector<16xi1>, vector<16xf32>
        %add3A_474 = arith.addf %add3A_458, %select_n3A_473 : vector<16xf32>
        %mul3A_475 = arith.mulf %select_n3A_473, %select_n3A_473 : vector<16xf32>
        %add3A_476 = arith.addf %add3A_460, %mul3A_475 : vector<16xf32>
        %get3A_477 = arith.index_cast %add3A_220 : i32 to index
        %get3A_478 = arith.index_cast %select_n3A_236 : i32 to index
        %get3A_479 = arith.constant 240 : index
        %get3A_480 = tpu.vector_load %arg9[%get3A_477, %get3A_478, %get3A_479] {strides = array<i32>} : memref<8x8x512xf32, #tpu.memory_space<vmem>>, vector<16xf32>,
        %and3A_481 = arith.constant 32768 : i32
        %and3A_482 = vector.broadcast %and3A_481 : i32 to vector<16xi32>
        %and3A_483 = arith.andi %get3A_195, %and3A_482 : vector<16xi32>
        %ne3A_484 = arith.constant 0 : i32
        %ne3A_485 = vector.broadcast %ne3A_484 : i32 to vector<16xi32>
        %ne3A_486 = arith.cmpi ne, %and3A_483, %ne3A_485 : vector<16xi32>
        %jit3A_487 = arith.constant 0.000000e+00 : f32
        %broadcast_in_dim3A_488 = vector.broadcast %jit3A_487 : f32 to vector<16xf32>
        %select_n3A_489 = arith.select %ne3A_486, %get3A_480, %broadcast_in_dim3A_488 : vector<16xi1>, vector<16xf32>
        %add3A_490 = arith.addf %add3A_474, %select_n3A_489 : vector<16xf32>
        %mul3A_491 = arith.mulf %select_n3A_489, %select_n3A_489 : vector<16xf32>
        %add3A_492 = arith.addf %add3A_476, %mul3A_491 : vector<16xf32>
        %get3A_493 = arith.index_cast %add3A_220 : i32 to index
        %get3A_494 = arith.index_cast %select_n3A_236 : i32 to index
        %get3A_495 = arith.constant 256 : index
        %get3A_496 = tpu.vector_load %arg9[%get3A_493, %get3A_494, %get3A_495] {strides = array<i32>} : memref<8x8x512xf32, #tpu.memory_space<vmem>>, vector<16xf32>,
        %and3A_497 = arith.constant 65536 : i32
        %and3A_498 = vector.broadcast %and3A_497 : i32 to vector<16xi32>
        %and3A_499 = arith.andi %get3A_195, %and3A_498 : vector<16xi32>
        %ne3A_500 = arith.constant 0 : i32
        %ne3A_501 = vector.broadcast %ne3A_500 : i32 to vector<16xi32>
        %ne3A_502 = arith.cmpi ne, %and3A_499, %ne3A_501 : vector<16xi32>
        %jit3A_503 = arith.constant 0.000000e+00 : f32
        %broadcast_in_dim3A_504 = vector.broadcast %jit3A_503 : f32 to vector<16xf32>
        %select_n3A_505 = arith.select %ne3A_502, %get3A_496, %broadcast_in_dim3A_504 : vector<16xi1>, vector<16xf32>
        %add3A_506 = arith.addf %add3A_490, %select_n3A_505 : vector<16xf32>
        %mul3A_507 = arith.mulf %select_n3A_505, %select_n3A_505 : vector<16xf32>
        %add3A_508 = arith.addf %add3A_492, %mul3A_507 : vector<16xf32>
        %get3A_509 = arith.index_cast %add3A_220 : i32 to index
        %get3A_510 = arith.index_cast %select_n3A_236 : i32 to index
        %get3A_511 = arith.constant 272 : index
        %get3A_512 = tpu.vector_load %arg9[%get3A_509, %get3A_510, %get3A_511] {strides = array<i32>} : memref<8x8x512xf32, #tpu.memory_space<vmem>>, vector<16xf32>,
        %and3A_513 = arith.constant 131072 : i32
        %and3A_514 = vector.broadcast %and3A_513 : i32 to vector<16xi32>
        %and3A_515 = arith.andi %get3A_195, %and3A_514 : vector<16xi32>
        %ne3A_516 = arith.constant 0 : i32
        %ne3A_517 = vector.broadcast %ne3A_516 : i32 to vector<16xi32>
        %ne3A_518 = arith.cmpi ne, %and3A_515, %ne3A_517 : vector<16xi32>
        %jit3A_519 = arith.constant 0.000000e+00 : f32
        %broadcast_in_dim3A_520 = vector.broadcast %jit3A_519 : f32 to vector<16xf32>
        %select_n3A_521 = arith.select %ne3A_518, %get3A_512, %broadcast_in_dim3A_520 : vector<16xi1>, vector<16xf32>
        %add3A_522 = arith.addf %add3A_506, %select_n3A_521 : vector<16xf32>
        %mul3A_523 = arith.mulf %select_n3A_521, %select_n3A_521 : vector<16xf32>
        %add3A_524 = arith.addf %add3A_508, %mul3A_523 : vector<16xf32>
        %get3A_525 = arith.index_cast %add3A_220 : i32 to index
        %get3A_526 = arith.index_cast %select_n3A_236 : i32 to index
        %get3A_527 = arith.constant 288 : index
        %get3A_528 = tpu.vector_load %arg9[%get3A_525, %get3A_526, %get3A_527] {strides = array<i32>} : memref<8x8x512xf32, #tpu.memory_space<vmem>>, vector<16xf32>,
        %and3A_529 = arith.constant 262144 : i32
        %and3A_530 = vector.broadcast %and3A_529 : i32 to vector<16xi32>
        %and3A_531 = arith.andi %get3A_195, %and3A_530 : vector<16xi32>
        %ne3A_532 = arith.constant 0 : i32
        %ne3A_533 = vector.broadcast %ne3A_532 : i32 to vector<16xi32>
        %ne3A_534 = arith.cmpi ne, %and3A_531, %ne3A_533 : vector<16xi32>
        %jit3A_535 = arith.constant 0.000000e+00 : f32
        %broadcast_in_dim3A_536 = vector.broadcast %jit3A_535 : f32 to vector<16xf32>
        %select_n3A_537 = arith.select %ne3A_534, %get3A_528, %broadcast_in_dim3A_536 : vector<16xi1>, vector<16xf32>
        %add3A_538 = arith.addf %add3A_522, %select_n3A_537 : vector<16xf32>
        %mul3A_539 = arith.mulf %select_n3A_537, %select_n3A_537 : vector<16xf32>
        %add3A_540 = arith.addf %add3A_524, %mul3A_539 : vector<16xf32>
        %get3A_541 = arith.index_cast %add3A_220 : i32 to index
        %get3A_542 = arith.index_cast %select_n3A_236 : i32 to index
        %get3A_543 = arith.constant 304 : index
        %get3A_544 = tpu.vector_load %arg9[%get3A_541, %get3A_542, %get3A_543] {strides = array<i32>} : memref<8x8x512xf32, #tpu.memory_space<vmem>>, vector<16xf32>,
        %and3A_545 = arith.constant 524288 : i32
        %and3A_546 = vector.broadcast %and3A_545 : i32 to vector<16xi32>
        %and3A_547 = arith.andi %get3A_195, %and3A_546 : vector<16xi32>
        %ne3A_548 = arith.constant 0 : i32
        %ne3A_549 = vector.broadcast %ne3A_548 : i32 to vector<16xi32>
        %ne3A_550 = arith.cmpi ne, %and3A_547, %ne3A_549 : vector<16xi32>
        %jit3A_551 = arith.constant 0.000000e+00 : f32
        %broadcast_in_dim3A_552 = vector.broadcast %jit3A_551 : f32 to vector<16xf32>
        %select_n3A_553 = arith.select %ne3A_550, %get3A_544, %broadcast_in_dim3A_552 : vector<16xi1>, vector<16xf32>
        %add3A_554 = arith.addf %add3A_538, %select_n3A_553 : vector<16xf32>
        %mul3A_555 = arith.mulf %select_n3A_553, %select_n3A_553 : vector<16xf32>
        %add3A_556 = arith.addf %add3A_540, %mul3A_555 : vector<16xf32>
        %get3A_557 = arith.index_cast %add3A_220 : i32 to index
        %get3A_558 = arith.index_cast %select_n3A_236 : i32 to index
        %get3A_559 = arith.constant 320 : index
        %get3A_560 = tpu.vector_load %arg9[%get3A_557, %get3A_558, %get3A_559] {strides = array<i32>} : memref<8x8x512xf32, #tpu.memory_space<vmem>>, vector<16xf32>,
        %and3A_561 = arith.constant 1048576 : i32
        %and3A_562 = vector.broadcast %and3A_561 : i32 to vector<16xi32>
        %and3A_563 = arith.andi %get3A_195, %and3A_562 : vector<16xi32>
        %ne3A_564 = arith.constant 0 : i32
        %ne3A_565 = vector.broadcast %ne3A_564 : i32 to vector<16xi32>
        %ne3A_566 = arith.cmpi ne, %and3A_563, %ne3A_565 : vector<16xi32>
        %jit3A_567 = arith.constant 0.000000e+00 : f32
        %broadcast_in_dim3A_568 = vector.broadcast %jit3A_567 : f32 to vector<16xf32>
        %select_n3A_569 = arith.select %ne3A_566, %get3A_560, %broadcast_in_dim3A_568 : vector<16xi1>, vector<16xf32>
        %add3A_570 = arith.addf %add3A_554, %select_n3A_569 : vector<16xf32>
        %mul3A_571 = arith.mulf %select_n3A_569, %select_n3A_569 : vector<16xf32>
        %add3A_572 = arith.addf %add3A_556, %mul3A_571 : vector<16xf32>
        %get3A_573 = arith.index_cast %add3A_220 : i32 to index
        %get3A_574 = arith.index_cast %select_n3A_236 : i32 to index
        %get3A_575 = arith.constant 336 : index
        %get3A_576 = tpu.vector_load %arg9[%get3A_573, %get3A_574, %get3A_575] {strides = array<i32>} : memref<8x8x512xf32, #tpu.memory_space<vmem>>, vector<16xf32>,
        %and3A_577 = arith.constant 2097152 : i32
        %and3A_578 = vector.broadcast %and3A_577 : i32 to vector<16xi32>
        %and3A_579 = arith.andi %get3A_195, %and3A_578 : vector<16xi32>
        %ne3A_580 = arith.constant 0 : i32
        %ne3A_581 = vector.broadcast %ne3A_580 : i32 to vector<16xi32>
        %ne3A_582 = arith.cmpi ne, %and3A_579, %ne3A_581 : vector<16xi32>
        %jit3A_583 = arith.constant 0.000000e+00 : f32
        %broadcast_in_dim3A_584 = vector.broadcast %jit3A_583 : f32 to vector<16xf32>
        %select_n3A_585 = arith.select %ne3A_582, %get3A_576, %broadcast_in_dim3A_584 : vector<16xi1>, vector<16xf32>
        %add3A_586 = arith.addf %add3A_570, %select_n3A_585 : vector<16xf32>
        %mul3A_587 = arith.mulf %select_n3A_585, %select_n3A_585 : vector<16xf32>
        %add3A_588 = arith.addf %add3A_572, %mul3A_587 : vector<16xf32>
        %get3A_589 = arith.index_cast %add3A_220 : i32 to index
        %get3A_590 = arith.index_cast %select_n3A_236 : i32 to index
        %get3A_591 = arith.constant 352 : index
        %get3A_592 = tpu.vector_load %arg9[%get3A_589, %get3A_590, %get3A_591] {strides = array<i32>} : memref<8x8x512xf32, #tpu.memory_space<vmem>>, vector<16xf32>,
        %and3A_593 = arith.constant 4194304 : i32
        %and3A_594 = vector.broadcast %and3A_593 : i32 to vector<16xi32>
        %and3A_595 = arith.andi %get3A_195, %and3A_594 : vector<16xi32>
        %ne3A_596 = arith.constant 0 : i32
        %ne3A_597 = vector.broadcast %ne3A_596 : i32 to vector<16xi32>
        %ne3A_598 = arith.cmpi ne, %and3A_595, %ne3A_597 : vector<16xi32>
        %jit3A_599 = arith.constant 0.000000e+00 : f32
        %broadcast_in_dim3A_600 = vector.broadcast %jit3A_599 : f32 to vector<16xf32>
        %select_n3A_601 = arith.select %ne3A_598, %get3A_592, %broadcast_in_dim3A_600 : vector<16xi1>, vector<16xf32>
        %add3A_602 = arith.addf %add3A_586, %select_n3A_601 : vector<16xf32>
        %mul3A_603 = arith.mulf %select_n3A_601, %select_n3A_601 : vector<16xf32>
        %add3A_604 = arith.addf %add3A_588, %mul3A_603 : vector<16xf32>
        %get3A_605 = arith.index_cast %add3A_220 : i32 to index
        %get3A_606 = arith.index_cast %select_n3A_236 : i32 to index
        %get3A_607 = arith.constant 368 : index
        %get3A_608 = tpu.vector_load %arg9[%get3A_605, %get3A_606, %get3A_607] {strides = array<i32>} : memref<8x8x512xf32, #tpu.memory_space<vmem>>, vector<16xf32>,
        %and3A_609 = arith.constant 8388608 : i32
        %and3A_610 = vector.broadcast %and3A_609 : i32 to vector<16xi32>
        %and3A_611 = arith.andi %get3A_195, %and3A_610 : vector<16xi32>
        %ne3A_612 = arith.constant 0 : i32
        %ne3A_613 = vector.broadcast %ne3A_612 : i32 to vector<16xi32>
        %ne3A_614 = arith.cmpi ne, %and3A_611, %ne3A_613 : vector<16xi32>
        %jit3A_615 = arith.constant 0.000000e+00 : f32
        %broadcast_in_dim3A_616 = vector.broadcast %jit3A_615 : f32 to vector<16xf32>
        %select_n3A_617 = arith.select %ne3A_614, %get3A_608, %broadcast_in_dim3A_616 : vector<16xi1>, vector<16xf32>
        %add3A_618 = arith.addf %add3A_602, %select_n3A_617 : vector<16xf32>
        %mul3A_619 = arith.mulf %select_n3A_617, %select_n3A_617 : vector<16xf32>
        %add3A_620 = arith.addf %add3A_604, %mul3A_619 : vector<16xf32>
        %get3A_621 = arith.index_cast %add3A_220 : i32 to index
        %get3A_622 = arith.index_cast %select_n3A_236 : i32 to index
        %get3A_623 = arith.constant 384 : index
        %get3A_624 = tpu.vector_load %arg9[%get3A_621, %get3A_622, %get3A_623] {strides = array<i32>} : memref<8x8x512xf32, #tpu.memory_space<vmem>>, vector<16xf32>,
        %and3A_625 = arith.constant 16777216 : i32
        %and3A_626 = vector.broadcast %and3A_625 : i32 to vector<16xi32>
        %and3A_627 = arith.andi %get3A_195, %and3A_626 : vector<16xi32>
        %ne3A_628 = arith.constant 0 : i32
        %ne3A_629 = vector.broadcast %ne3A_628 : i32 to vector<16xi32>
        %ne3A_630 = arith.cmpi ne, %and3A_627, %ne3A_629 : vector<16xi32>
        %jit3A_631 = arith.constant 0.000000e+00 : f32
        %broadcast_in_dim3A_632 = vector.broadcast %jit3A_631 : f32 to vector<16xf32>
        %select_n3A_633 = arith.select %ne3A_630, %get3A_624, %broadcast_in_dim3A_632 : vector<16xi1>, vector<16xf32>
        %add3A_634 = arith.addf %add3A_618, %select_n3A_633 : vector<16xf32>
        %mul3A_635 = arith.mulf %select_n3A_633, %select_n3A_633 : vector<16xf32>
        %add3A_636 = arith.addf %add3A_620, %mul3A_635 : vector<16xf32>
        %get3A_637 = arith.index_cast %add3A_220 : i32 to index
        %get3A_638 = arith.index_cast %select_n3A_236 : i32 to index
        %get3A_639 = arith.constant 400 : index
        %get3A_640 = tpu.vector_load %arg9[%get3A_637, %get3A_638, %get3A_639] {strides = array<i32>} : memref<8x8x512xf32, #tpu.memory_space<vmem>>, vector<16xf32>,
        %and3A_641 = arith.constant 33554432 : i32
        %and3A_642 = vector.broadcast %and3A_641 : i32 to vector<16xi32>
        %and3A_643 = arith.andi %get3A_195, %and3A_642 : vector<16xi32>
        %ne3A_644 = arith.constant 0 : i32
        %ne3A_645 = vector.broadcast %ne3A_644 : i32 to vector<16xi32>
        %ne3A_646 = arith.cmpi ne, %and3A_643, %ne3A_645 : vector<16xi32>
        %jit3A_647 = arith.constant 0.000000e+00 : f32
        %broadcast_in_dim3A_648 = vector.broadcast %jit3A_647 : f32 to vector<16xf32>
        %select_n3A_649 = arith.select %ne3A_646, %get3A_640, %broadcast_in_dim3A_648 : vector<16xi1>, vector<16xf32>
        %add3A_650 = arith.addf %add3A_634, %select_n3A_649 : vector<16xf32>
        %mul3A_651 = arith.mulf %select_n3A_649, %select_n3A_649 : vector<16xf32>
        %add3A_652 = arith.addf %add3A_636, %mul3A_651 : vector<16xf32>
        %get3A_653 = arith.index_cast %add3A_220 : i32 to index
        %get3A_654 = arith.index_cast %select_n3A_236 : i32 to index
        %get3A_655 = arith.constant 416 : index
        %get3A_656 = tpu.vector_load %arg9[%get3A_653, %get3A_654, %get3A_655] {strides = array<i32>} : memref<8x8x512xf32, #tpu.memory_space<vmem>>, vector<16xf32>,
        %and3A_657 = arith.constant 67108864 : i32
        %and3A_658 = vector.broadcast %and3A_657 : i32 to vector<16xi32>
        %and3A_659 = arith.andi %get3A_195, %and3A_658 : vector<16xi32>
        %ne3A_660 = arith.constant 0 : i32
        %ne3A_661 = vector.broadcast %ne3A_660 : i32 to vector<16xi32>
        %ne3A_662 = arith.cmpi ne, %and3A_659, %ne3A_661 : vector<16xi32>
        %jit3A_663 = arith.constant 0.000000e+00 : f32
        %broadcast_in_dim3A_664 = vector.broadcast %jit3A_663 : f32 to vector<16xf32>
        %select_n3A_665 = arith.select %ne3A_662, %get3A_656, %broadcast_in_dim3A_664 : vector<16xi1>, vector<16xf32>
        %add3A_666 = arith.addf %add3A_650, %select_n3A_665 : vector<16xf32>
        %mul3A_667 = arith.mulf %select_n3A_665, %select_n3A_665 : vector<16xf32>
        %add3A_668 = arith.addf %add3A_652, %mul3A_667 : vector<16xf32>
        %get3A_669 = arith.index_cast %add3A_220 : i32 to index
        %get3A_670 = arith.index_cast %select_n3A_236 : i32 to index
        %get3A_671 = arith.constant 432 : index
        %get3A_672 = tpu.vector_load %arg9[%get3A_669, %get3A_670, %get3A_671] {strides = array<i32>} : memref<8x8x512xf32, #tpu.memory_space<vmem>>, vector<16xf32>,
        %and3A_673 = arith.constant 134217728 : i32
        %and3A_674 = vector.broadcast %and3A_673 : i32 to vector<16xi32>
        %and3A_675 = arith.andi %get3A_195, %and3A_674 : vector<16xi32>
        %ne3A_676 = arith.constant 0 : i32
        %ne3A_677 = vector.broadcast %ne3A_676 : i32 to vector<16xi32>
        %ne3A_678 = arith.cmpi ne, %and3A_675, %ne3A_677 : vector<16xi32>
        %jit3A_679 = arith.constant 0.000000e+00 : f32
        %broadcast_in_dim3A_680 = vector.broadcast %jit3A_679 : f32 to vector<16xf32>
        %select_n3A_681 = arith.select %ne3A_678, %get3A_672, %broadcast_in_dim3A_680 : vector<16xi1>, vector<16xf32>
        %add3A_682 = arith.addf %add3A_666, %select_n3A_681 : vector<16xf32>
        %mul3A_683 = arith.mulf %select_n3A_681, %select_n3A_681 : vector<16xf32>
        %add3A_684 = arith.addf %add3A_668, %mul3A_683 : vector<16xf32>
        %get3A_685 = arith.index_cast %add3A_220 : i32 to index
        %get3A_686 = arith.index_cast %select_n3A_236 : i32 to index
        %get3A_687 = arith.constant 448 : index
        %get3A_688 = tpu.vector_load %arg9[%get3A_685, %get3A_686, %get3A_687] {strides = array<i32>} : memref<8x8x512xf32, #tpu.memory_space<vmem>>, vector<16xf32>,
        %and3A_689 = arith.constant 268435456 : i32
        %and3A_690 = vector.broadcast %and3A_689 : i32 to vector<16xi32>
        %and3A_691 = arith.andi %get3A_195, %and3A_690 : vector<16xi32>
        %ne3A_692 = arith.constant 0 : i32
        %ne3A_693 = vector.broadcast %ne3A_692 : i32 to vector<16xi32>
        %ne3A_694 = arith.cmpi ne, %and3A_691, %ne3A_693 : vector<16xi32>
        %jit3A_695 = arith.constant 0.000000e+00 : f32
        %broadcast_in_dim3A_696 = vector.broadcast %jit3A_695 : f32 to vector<16xf32>
        %select_n3A_697 = arith.select %ne3A_694, %get3A_688, %broadcast_in_dim3A_696 : vector<16xi1>, vector<16xf32>
        %add3A_698 = arith.addf %add3A_682, %select_n3A_697 : vector<16xf32>
        %mul3A_699 = arith.mulf %select_n3A_697, %select_n3A_697 : vector<16xf32>
        %add3A_700 = arith.addf %add3A_684, %mul3A_699 : vector<16xf32>
        %get3A_701 = arith.index_cast %add3A_220 : i32 to index
        %get3A_702 = arith.index_cast %select_n3A_236 : i32 to index
        %get3A_703 = arith.constant 464 : index
        %get3A_704 = tpu.vector_load %arg9[%get3A_701, %get3A_702, %get3A_703] {strides = array<i32>} : memref<8x8x512xf32, #tpu.memory_space<vmem>>, vector<16xf32>,
        %and3A_705 = arith.constant 536870912 : i32
        %and3A_706 = vector.broadcast %and3A_705 : i32 to vector<16xi32>
        %and3A_707 = arith.andi %get3A_195, %and3A_706 : vector<16xi32>
        %ne3A_708 = arith.constant 0 : i32
        %ne3A_709 = vector.broadcast %ne3A_708 : i32 to vector<16xi32>
        %ne3A_710 = arith.cmpi ne, %and3A_707, %ne3A_709 : vector<16xi32>
        %jit3A_711 = arith.constant 0.000000e+00 : f32
        %broadcast_in_dim3A_712 = vector.broadcast %jit3A_711 : f32 to vector<16xf32>
        %select_n3A_713 = arith.select %ne3A_710, %get3A_704, %broadcast_in_dim3A_712 : vector<16xi1>, vector<16xf32>
        %add3A_714 = arith.addf %add3A_698, %select_n3A_713 : vector<16xf32>
        %mul3A_715 = arith.mulf %select_n3A_713, %select_n3A_713 : vector<16xf32>
        %add3A_716 = arith.addf %add3A_700, %mul3A_715 : vector<16xf32>
        %get3A_717 = arith.index_cast %add3A_220 : i32 to index
        %get3A_718 = arith.index_cast %select_n3A_236 : i32 to index
        %get3A_719 = arith.constant 480 : index
        %get3A_720 = tpu.vector_load %arg9[%get3A_717, %get3A_718, %get3A_719] {strides = array<i32>} : memref<8x8x512xf32, #tpu.memory_space<vmem>>, vector<16xf32>,
        %and3A_721 = arith.constant 1073741824 : i32
        %and3A_722 = vector.broadcast %and3A_721 : i32 to vector<16xi32>
        %and3A_723 = arith.andi %get3A_195, %and3A_722 : vector<16xi32>
        %ne3A_724 = arith.constant 0 : i32
        %ne3A_725 = vector.broadcast %ne3A_724 : i32 to vector<16xi32>
        %ne3A_726 = arith.cmpi ne, %and3A_723, %ne3A_725 : vector<16xi32>
        %jit3A_727 = arith.constant 0.000000e+00 : f32
        %broadcast_in_dim3A_728 = vector.broadcast %jit3A_727 : f32 to vector<16xf32>
        %select_n3A_729 = arith.select %ne3A_726, %get3A_720, %broadcast_in_dim3A_728 : vector<16xi1>, vector<16xf32>
        %add3A_730 = arith.addf %add3A_714, %select_n3A_729 : vector<16xf32>
        %mul3A_731 = arith.mulf %select_n3A_729, %select_n3A_729 : vector<16xf32>
        %add3A_732 = arith.addf %add3A_716, %mul3A_731 : vector<16xf32>
        %get3A_733 = arith.index_cast %add3A_220 : i32 to index
        %get3A_734 = arith.index_cast %select_n3A_236 : i32 to index
        %get3A_735 = arith.constant 496 : index
        %get3A_736 = tpu.vector_load %arg9[%get3A_733, %get3A_734, %get3A_735] {strides = array<i32>} : memref<8x8x512xf32, #tpu.memory_space<vmem>>, vector<16xf32>,
        %and3A_737 = arith.constant -2147483648 : i32
        %and3A_738 = vector.broadcast %and3A_737 : i32 to vector<16xi32>
        %and3A_739 = arith.andi %get3A_195, %and3A_738 : vector<16xi32>
        %ne3A_740 = arith.constant 0 : i32
        %ne3A_741 = vector.broadcast %ne3A_740 : i32 to vector<16xi32>
        %ne3A_742 = arith.cmpi ne, %and3A_739, %ne3A_741 : vector<16xi32>
        %jit3A_743 = arith.constant 0.000000e+00 : f32
        %broadcast_in_dim3A_744 = vector.broadcast %jit3A_743 : f32 to vector<16xf32>
        %select_n3A_745 = arith.select %ne3A_742, %get3A_736, %broadcast_in_dim3A_744 : vector<16xi1>, vector<16xf32>
        %add3A_746 = arith.addf %add3A_730, %select_n3A_745 : vector<16xf32>
        %mul3A_747 = arith.mulf %select_n3A_745, %select_n3A_745 : vector<16xf32>
        %add3A_748 = arith.addf %add3A_732, %mul3A_747 : vector<16xf32>
        %shift_right_logical3A = arith.constant 1 : i32
        %shift_right_logical3A_749 = vector.broadcast %shift_right_logical3A : i32 to vector<16xi32>
        %shift_right_logical3A_750 = arith.shrui %get3A_195, %shift_right_logical3A_749 : vector<16xi32>
        %and3A_751 = arith.constant 1431655765 : i32
        %and3A_752 = vector.broadcast %and3A_751 : i32 to vector<16xi32>
        %and3A_753 = arith.andi %shift_right_logical3A_750, %and3A_752 : vector<16xi32>
        %sub3A_754 = arith.subi %get3A_195, %and3A_753 : vector<16xi32>
        %and3A_755 = arith.constant 858993459 : i32
        %and3A_756 = vector.broadcast %and3A_755 : i32 to vector<16xi32>
        %and3A_757 = arith.andi %sub3A_754, %and3A_756 : vector<16xi32>
        %shift_right_logical3A_758 = arith.constant 2 : i32
        %shift_right_logical3A_759 = vector.broadcast %shift_right_logical3A_758 : i32 to vector<16xi32>
        %shift_right_logical3A_760 = arith.shrui %sub3A_754, %shift_right_logical3A_759 : vector<16xi32>
        %and3A_761 = arith.constant 858993459 : i32
        %and3A_762 = vector.broadcast %and3A_761 : i32 to vector<16xi32>
        %and3A_763 = arith.andi %shift_right_logical3A_760, %and3A_762 : vector<16xi32>
        %add3A_764 = arith.addi %and3A_757, %and3A_763 : vector<16xi32>
        %shift_right_logical3A_765 = arith.constant 4 : i32
        %shift_right_logical3A_766 = vector.broadcast %shift_right_logical3A_765 : i32 to vector<16xi32>
        %shift_right_logical3A_767 = arith.shrui %add3A_764, %shift_right_logical3A_766 : vector<16xi32>
        %add3A_768 = arith.addi %add3A_764, %shift_right_logical3A_767 : vector<16xi32>
        %and3A_769 = arith.constant 252645135 : i32
        %and3A_770 = vector.broadcast %and3A_769 : i32 to vector<16xi32>
        %and3A_771 = arith.andi %add3A_768, %and3A_770 : vector<16xi32>
        %mul3A_772 = arith.constant 16843009 : i32
        %mul3A_773 = vector.broadcast %mul3A_772 : i32 to vector<16xi32>
        %mul3A_774 = arith.muli %and3A_771, %mul3A_773 : vector<16xi32>
        %shift_right_logical3A_775 = arith.constant 24 : i32
        %shift_right_logical3A_776 = vector.broadcast %shift_right_logical3A_775 : i32 to vector<16xi32>
        %shift_right_logical3A_777 = arith.shrui %mul3A_774, %shift_right_logical3A_776 : vector<16xi32>
        %add3A_778 = arith.addi %scan3A_190, %shift_right_logical3A_777 : vector<16xi32>
        scf.yield %add3A_746, %add3A_748, %add3A_778 : vector<16xf32>, vector<16xf32>, vector<16xi32>
      }
      %scan3A_180 = arith.constant 32 : i32
      %add3A_181 = arith.constant 2 : i32
      %add3A_182 = arith.addi %scan3A_152, %add3A_181 : i32
      %lt3A_183 = arith.constant 4 : i32
      %lt3A_184 = arith.cmpi slt, %add3A_182, %lt3A_183 : i32
      %convert_element_type3A_185 = arith.extui %lt3A_184 : i1 to i32
      %cond3A = arith.constant 0 : i32
      %cond3A_186 = arith.cmpi ne, %convert_element_type3A_185, %cond3A : i32
      scf.if %cond3A_186 {
        %add3A_187 = arith.constant 2 : i32
        %add3A_188 = arith.addi %scan3A_152, %add3A_187 : i32
        %rem3A_189 = arith.constant 2 : i32
        %rem3A_190 = arith.remsi %add3A_188, %rem3A_189 : i32
        %mul3A_191 = arith.constant 4 : i32
        %mul3A_192 = arith.muli %rem3A_190, %mul3A_191 : i32
        %dma_start3A_193 = arith.constant 0 : i32
        %dma_start3A_194 = arith.constant 0 : i32
        %dma_start3A_195 = tpu.memref_slice %arg9[%mul3A_192, %dma_start3A_193, %dma_start3A_194] : memref<8x8x512xf32, #tpu.memory_space<vmem>> -> memref<4x8x512xf32, #tpu.memory_space<vmem>>
        %dma_start3A_196 = arith.constant 0 : i32
        %dma_start3A_197 = tpu.memref_slice %arg7[%add3A_188, %dma_start3A_196] : memref<4x4xi32, #tpu.memory_space<vmem>> -> memref<1x4xi32, #tpu.memory_space<vmem>>
        %dma_start3A_198 = tpu.memref_squeeze %dma_start3A_197 : memref<1x4xi32, #tpu.memory_space<vmem>> -> memref<4xi32, #tpu.memory_space<vmem>>
        %dma_start3A_199 = arith.constant 0 : i32
        %dma_start3A_200 = arith.constant 0 : i32
        %dma_start3A_201 = arith.constant 0 : i32
        %dma_start3A_202 = tpu.memref_slice %arg2[%dma_start3A_199, %dma_start3A_200, %dma_start3A_201] : memref<5120x8x512xf32, #tpu.memory_space<hbm>> -> memref<5120x8x512xf32, #tpu.memory_space<hbm>>
        %dma_start3A_203 = tpu.memref_slice %arg11[%rem3A_190] : memref<2x!tpu.dma_semaphore, #tpu.memory_space<semaphore_mem>> -> memref<1x!tpu.dma_semaphore, #tpu.memory_space<semaphore_mem>>
        %dma_start3A_204 = tpu.memref_squeeze %dma_start3A_203 : memref<1x!tpu.dma_semaphore, #tpu.memory_space<semaphore_mem>> -> memref<!tpu.dma_semaphore, #tpu.memory_space<semaphore_mem>>
        tpu.enqueue_indirect_dma source(%dma_start3A_202 : memref<5120x8x512xf32, #tpu.memory_space<hbm>>) target(%dma_start3A_195 : memref<4x8x512xf32, #tpu.memory_space<vmem>>) offsets(%dma_start3A_198 : memref<4xi32, #tpu.memory_space<vmem>>) semaphore(%dma_start3A_204 : memref<!tpu.dma_semaphore, #tpu.memory_space<semaphore_mem>>)
      } else {
      }
      scf.yield %scan3A_179#0, %scan3A_179#1, %scan3A_179#2 : vector<16xf32>, vector<16xf32>, vector<16xi32>
    }
    %scan3A_137 = arith.constant 4 : i32
    %swap3A = arith.constant 0 : i32
    %swap3A_138 = arith.index_cast %swap3A : i32 to index
    %swap3A_139 = arith.constant 0 : index
    %swap3A_140 = tpu.vector_load %arg10[%swap3A_138, %swap3A_139] {strides = array<i32>} : memref<3x16xf32, #tpu.memory_space<vmem>>, vector<16xf32>,
    tpu.vector_store %arg10[%swap3A_138, %swap3A_139], %scan3A_136#0 {strides = array<i32>} : memref<3x16xf32, #tpu.memory_space<vmem>>, vector<16xf32>,
    %swap3A_141 = arith.constant 1 : i32
    %swap3A_142 = arith.index_cast %swap3A_141 : i32 to index
    %swap3A_143 = arith.constant 0 : index
    %swap3A_144 = tpu.vector_load %arg10[%swap3A_142, %swap3A_143] {strides = array<i32>} : memref<3x16xf32, #tpu.memory_space<vmem>>, vector<16xf32>,
    tpu.vector_store %arg10[%swap3A_142, %swap3A_143], %scan3A_136#1 {strides = array<i32>} : memref<3x16xf32, #tpu.memory_space<vmem>>, vector<16xf32>,
    %convert_element_type3A = arith.uitofp %scan3A_136#2 : vector<16xi32> to vector<16xf32>
    %swap3A_145 = arith.constant 2 : i32
    %swap3A_146 = arith.index_cast %swap3A_145 : i32 to index
    %swap3A_147 = arith.constant 0 : index
    %swap3A_148 = tpu.vector_load %arg10[%swap3A_146, %swap3A_147] {strides = array<i32>} : memref<3x16xf32, #tpu.memory_space<vmem>>, vector<16xf32>,
    tpu.vector_store %arg10[%swap3A_146, %swap3A_147], %convert_element_type3A {strides = array<i32>} : memref<3x16xf32, #tpu.memory_space<vmem>>, vector<16xf32>,
    %mul3A_149 = arith.constant 8 : i32
    %mul3A_150 = arith.muli %select_n3A_30, %mul3A_149 : i32
    %add3A_151 = arith.addi %mul3A_150, %select_n3A : i32
    "tpu.region"() ({
      %run_scoped3A = tpu.sem_alloc : memref<!tpu.dma_semaphore, #tpu.memory_space<semaphore_mem>>
      %dma_start3A_152 = arith.constant 0 : i32
      %dma_start3A_153 = arith.constant 0 : i32
      %dma_start3A_154 = tpu.memref_slice %arg5[%add3A_151, %dma_start3A_152, %dma_start3A_153] : memref<32x3x16xf32, #tpu.memory_space<hbm>> -> memref<1x3x16xf32, #tpu.memory_space<hbm>>
      %dma_start3A_155 = tpu.memref_squeeze %dma_start3A_154 : memref<1x3x16xf32, #tpu.memory_space<hbm>> -> memref<3x16xf32, #tpu.memory_space<hbm>>
      %dma_start3A_156 = arith.constant 0 : i32
      %dma_start3A_157 = arith.constant 0 : i32
      %dma_start3A_158 = tpu.memref_slice %arg5[%add3A_151, %dma_start3A_156, %dma_start3A_157] : memref<32x3x16xf32, #tpu.memory_space<hbm>> -> memref<1x3x16xf32, #tpu.memory_space<hbm>>
      %dma_start3A_159 = tpu.memref_squeeze %dma_start3A_158 : memref<1x3x16xf32, #tpu.memory_space<hbm>> -> memref<3x16xf32, #tpu.memory_space<hbm>>
      tpu.enqueue_dma source(%arg10 : memref<3x16xf32, #tpu.memory_space<vmem>>) target(%dma_start3A_159 : memref<3x16xf32, #tpu.memory_space<hbm>>) target_semaphore(%run_scoped3A : memref<!tpu.dma_semaphore, #tpu.memory_space<semaphore_mem>>)
      %dma_wait3A = arith.constant 0 : i32
      %dma_wait3A_160 = arith.constant 0 : i32
      %dma_wait3A_161 = tpu.memref_slice %arg5[%add3A_151, %dma_wait3A, %dma_wait3A_160] : memref<32x3x16xf32, #tpu.memory_space<hbm>> -> memref<1x3x16xf32, #tpu.memory_space<hbm>>
      %dma_wait3A_162 = tpu.memref_squeeze %dma_wait3A_161 : memref<1x3x16xf32, #tpu.memory_space<hbm>> -> memref<3x16xf32, #tpu.memory_space<hbm>>
      %dma_wait3A_163 = arith.constant 0 : i32
      %dma_wait3A_164 = arith.constant 0 : i32
      %dma_wait3A_165 = tpu.memref_slice %arg5[%add3A_151, %dma_wait3A_163, %dma_wait3A_164] : memref<32x3x16xf32, #tpu.memory_space<hbm>> -> memref<1x3x16xf32, #tpu.memory_space<hbm>>
      %dma_wait3A_166 = tpu.memref_squeeze %dma_wait3A_165 : memref<1x3x16xf32, #tpu.memory_space<hbm>> -> memref<3x16xf32, #tpu.memory_space<hbm>>
      tpu.wait_dma2 semaphore(%run_scoped3A : memref<!tpu.dma_semaphore, #tpu.memory_space<semaphore_mem>>) src(%arg10 : memref<3x16xf32, #tpu.memory_space<vmem>>) dst(%dma_wait3A_166 : memref<3x16xf32, #tpu.memory_space<hbm>>)
      tpu.yield
    }) : () -> ()
    return
  }
}

module attributes {stable_mosaic.version = 14 : i64} {
  func.func @_pack_body(%arg0: i32, %arg1: memref<8x512x512xi8, #tpu.memory_space<vmem>>, %arg2: memref<4096x16xi32, #tpu.memory_space<vmem>>) attributes {dimension_semantics = [#tpu.dimension_semantics<arbitrary>], iteration_bounds = array<i64: 1>, scalar_prefetch = 0 : i64, scratch_operands = 0 : i64, tpu.core_type = #tpu.core_type<tc>, window_params = [{pipeline_mode = #tpu.pipeline_mode<synchronous>, transform_indices = @transform_0, window_bounds = array<i64: 8, 512, 512>}, {pipeline_mode = #tpu.pipeline_mode<synchronous>, transform_indices = @transform_1, window_bounds = array<i64: 4096, 16>}]} {
    %iota3A = tpu.iota {dimensions = array<i32: 0>} : vector<512x32xi32>
    %iota3A_0 = tpu.iota {dimensions = array<i32: 1>} : vector<512x32xi32>
    %jit3A = arith.constant 16 : i32
    %div3A = vector.broadcast %jit3A : i32 to vector<512x32xi32>
    %div3A_1 = arith.divsi %iota3A, %div3A : vector<512x32xi32>
    %sign3A = arith.constant 0 : i32
    %sign3A_2 = vector.broadcast %sign3A : i32 to vector<512x32xi32>
    %sign3A_3 = arith.cmpi sgt, %iota3A, %sign3A_2 : vector<512x32xi32>
    %sign3A_4 = arith.extui %sign3A_3 : vector<512x32xi1> to vector<512x32xi32>
    %sign3A_5 = arith.constant 0 : i32
    %sign3A_6 = vector.broadcast %sign3A_5 : i32 to vector<512x32xi32>
    %sign3A_7 = arith.cmpi slt, %iota3A, %sign3A_6 : vector<512x32xi32>
    %sign3A_8 = arith.extui %sign3A_7 : vector<512x32xi1> to vector<512x32xi32>
    %sign3A_9 = arith.subi %sign3A_4, %sign3A_8 : vector<512x32xi32>
    %sign3A_10 = arith.constant 0 : i32
    %sign3A_11 = arith.cmpi sgt, %jit3A, %sign3A_10 : i32
    %sign3A_12 = arith.extui %sign3A_11 : i1 to i32
    %sign3A_13 = arith.constant 0 : i32
    %sign3A_14 = arith.cmpi slt, %jit3A, %sign3A_13 : i32
    %sign3A_15 = arith.extui %sign3A_14 : i1 to i32
    %sign3A_16 = arith.subi %sign3A_12, %sign3A_15 : i32
    %ne3A = vector.broadcast %sign3A_16 : i32 to vector<512x32xi32>
    %ne3A_17 = arith.cmpi ne, %sign3A_9, %ne3A : vector<512x32xi32>
    %rem3A = vector.broadcast %jit3A : i32 to vector<512x32xi32>
    %rem3A_18 = arith.remsi %iota3A, %rem3A : vector<512x32xi32>
    %ne3A_19 = arith.constant 0 : i32
    %ne3A_20 = vector.broadcast %ne3A_19 : i32 to vector<512x32xi32>
    %ne3A_21 = arith.cmpi ne, %rem3A_18, %ne3A_20 : vector<512x32xi32>
    %and3A = arith.andi %ne3A_17, %ne3A_21 : vector<512x32xi1>
    %sub3A = arith.constant 1 : i32
    %sub3A_22 = vector.broadcast %sub3A : i32 to vector<512x32xi32>
    %sub3A_23 = arith.subi %div3A_1, %sub3A_22 : vector<512x32xi32>
    %select_n3A = arith.select %and3A, %sub3A_23, %div3A_1 : vector<512x32xi1>, vector<512x32xi32>
    %jit3A_24 = arith.constant 16 : i32
    %eq3A = arith.constant 0 : i32
    %eq3A_25 = arith.cmpi eq, %jit3A_24, %eq3A : i32
    %jit3A_26 = arith.constant 1 : i32
    %select_n3A_27 = arith.select %eq3A_25, %jit3A_26, %jit3A_24 : i32
    %rem3A_28 = vector.broadcast %select_n3A_27 : i32 to vector<512x32xi32>
    %rem3A_29 = arith.remsi %iota3A, %rem3A_28 : vector<512x32xi32>
    %ne3A_30 = arith.constant 0 : i32
    %ne3A_31 = vector.broadcast %ne3A_30 : i32 to vector<512x32xi32>
    %ne3A_32 = arith.cmpi ne, %rem3A_29, %ne3A_31 : vector<512x32xi32>
    %lt3A = arith.constant 0 : i32
    %lt3A_33 = vector.broadcast %lt3A : i32 to vector<512x32xi32>
    %lt3A_34 = arith.cmpi slt, %rem3A_29, %lt3A_33 : vector<512x32xi32>
    %lt3A_35 = arith.constant 0 : i32
    %lt3A_36 = arith.cmpi slt, %select_n3A_27, %lt3A_35 : i32
    %ne3A_37 = vector.broadcast %lt3A_36 : i1 to vector<512x32xi1>
    %ne3A_38 = vector.broadcast %ne3A_37 : vector<512x32xi1> to vector<512x32xi1>
    %ne3A_39 = arith.xori %lt3A_34, %ne3A_38 : vector<512x32xi1>
    %and3A_40 = arith.andi %ne3A_39, %ne3A_32 : vector<512x32xi1>
    %add3A = vector.broadcast %select_n3A_27 : i32 to vector<512x32xi32>
    %add3A_41 = arith.addi %rem3A_29, %add3A : vector<512x32xi32>
    %select_n3A_42 = arith.select %and3A_40, %add3A_41, %rem3A_29 : vector<512x32xi1>, vector<512x32xi32>
    %jit3A_43 = arith.constant 16 : i32
    %eq3A_44 = arith.constant 0 : i32
    %eq3A_45 = arith.cmpi eq, %jit3A_43, %eq3A_44 : i32
    %jit3A_46 = arith.constant 1 : i32
    %select_n3A_47 = arith.select %eq3A_45, %jit3A_46, %jit3A_43 : i32
    %rem3A_48 = vector.broadcast %select_n3A_47 : i32 to vector<512x32xi32>
    %rem3A_49 = arith.remsi %iota3A_0, %rem3A_48 : vector<512x32xi32>
    %ne3A_50 = arith.constant 0 : i32
    %ne3A_51 = vector.broadcast %ne3A_50 : i32 to vector<512x32xi32>
    %ne3A_52 = arith.cmpi ne, %rem3A_49, %ne3A_51 : vector<512x32xi32>
    %lt3A_53 = arith.constant 0 : i32
    %lt3A_54 = vector.broadcast %lt3A_53 : i32 to vector<512x32xi32>
    %lt3A_55 = arith.cmpi slt, %rem3A_49, %lt3A_54 : vector<512x32xi32>
    %lt3A_56 = arith.constant 0 : i32
    %lt3A_57 = arith.cmpi slt, %select_n3A_47, %lt3A_56 : i32
    %ne3A_58 = vector.broadcast %lt3A_57 : i1 to vector<512x32xi1>
    %ne3A_59 = vector.broadcast %ne3A_58 : vector<512x32xi1> to vector<512x32xi1>
    %ne3A_60 = arith.xori %lt3A_55, %ne3A_59 : vector<512x32xi1>
    %and3A_61 = arith.andi %ne3A_60, %ne3A_52 : vector<512x32xi1>
    %add3A_62 = vector.broadcast %select_n3A_47 : i32 to vector<512x32xi32>
    %add3A_63 = arith.addi %rem3A_49, %add3A_62 : vector<512x32xi32>
    %select_n3A_64 = arith.select %and3A_61, %add3A_63, %rem3A_49 : vector<512x32xi1>, vector<512x32xi32>
    %eq3A_65 = arith.cmpi eq, %select_n3A_42, %select_n3A_64 : vector<512x32xi32>
    %jit3A_66 = arith.constant 16 : i32
    %div3A_67 = vector.broadcast %jit3A_66 : i32 to vector<512x32xi32>
    %div3A_68 = arith.divsi %select_n3A, %div3A_67 : vector<512x32xi32>
    %sign3A_69 = arith.constant 0 : i32
    %sign3A_70 = vector.broadcast %sign3A_69 : i32 to vector<512x32xi32>
    %sign3A_71 = arith.cmpi sgt, %select_n3A, %sign3A_70 : vector<512x32xi32>
    %sign3A_72 = arith.extui %sign3A_71 : vector<512x32xi1> to vector<512x32xi32>
    %sign3A_73 = arith.constant 0 : i32
    %sign3A_74 = vector.broadcast %sign3A_73 : i32 to vector<512x32xi32>
    %sign3A_75 = arith.cmpi slt, %select_n3A, %sign3A_74 : vector<512x32xi32>
    %sign3A_76 = arith.extui %sign3A_75 : vector<512x32xi1> to vector<512x32xi32>
    %sign3A_77 = arith.subi %sign3A_72, %sign3A_76 : vector<512x32xi32>
    %sign3A_78 = arith.constant 0 : i32
    %sign3A_79 = arith.cmpi sgt, %jit3A_66, %sign3A_78 : i32
    %sign3A_80 = arith.extui %sign3A_79 : i1 to i32
    %sign3A_81 = arith.constant 0 : i32
    %sign3A_82 = arith.cmpi slt, %jit3A_66, %sign3A_81 : i32
    %sign3A_83 = arith.extui %sign3A_82 : i1 to i32
    %sign3A_84 = arith.subi %sign3A_80, %sign3A_83 : i32
    %ne3A_85 = vector.broadcast %sign3A_84 : i32 to vector<512x32xi32>
    %ne3A_86 = arith.cmpi ne, %sign3A_77, %ne3A_85 : vector<512x32xi32>
    %rem3A_87 = vector.broadcast %jit3A_66 : i32 to vector<512x32xi32>
    %rem3A_88 = arith.remsi %select_n3A, %rem3A_87 : vector<512x32xi32>
    %ne3A_89 = arith.constant 0 : i32
    %ne3A_90 = vector.broadcast %ne3A_89 : i32 to vector<512x32xi32>
    %ne3A_91 = arith.cmpi ne, %rem3A_88, %ne3A_90 : vector<512x32xi32>
    %and3A_92 = arith.andi %ne3A_86, %ne3A_91 : vector<512x32xi1>
    %sub3A_93 = arith.constant 1 : i32
    %sub3A_94 = vector.broadcast %sub3A_93 : i32 to vector<512x32xi32>
    %sub3A_95 = arith.subi %div3A_68, %sub3A_94 : vector<512x32xi32>
    %select_n3A_96 = arith.select %and3A_92, %sub3A_95, %div3A_68 : vector<512x32xi1>, vector<512x32xi32>
    %jit3A_97 = arith.constant 16 : i32
    %div3A_98 = vector.broadcast %jit3A_97 : i32 to vector<512x32xi32>
    %div3A_99 = arith.divsi %iota3A_0, %div3A_98 : vector<512x32xi32>
    %sign3A_100 = arith.constant 0 : i32
    %sign3A_101 = vector.broadcast %sign3A_100 : i32 to vector<512x32xi32>
    %sign3A_102 = arith.cmpi sgt, %iota3A_0, %sign3A_101 : vector<512x32xi32>
    %sign3A_103 = arith.extui %sign3A_102 : vector<512x32xi1> to vector<512x32xi32>
    %sign3A_104 = arith.constant 0 : i32
    %sign3A_105 = vector.broadcast %sign3A_104 : i32 to vector<512x32xi32>
    %sign3A_106 = arith.cmpi slt, %iota3A_0, %sign3A_105 : vector<512x32xi32>
    %sign3A_107 = arith.extui %sign3A_106 : vector<512x32xi1> to vector<512x32xi32>
    %sign3A_108 = arith.subi %sign3A_103, %sign3A_107 : vector<512x32xi32>
    %sign3A_109 = arith.constant 0 : i32
    %sign3A_110 = arith.cmpi sgt, %jit3A_97, %sign3A_109 : i32
    %sign3A_111 = arith.extui %sign3A_110 : i1 to i32
    %sign3A_112 = arith.constant 0 : i32
    %sign3A_113 = arith.cmpi slt, %jit3A_97, %sign3A_112 : i32
    %sign3A_114 = arith.extui %sign3A_113 : i1 to i32
    %sign3A_115 = arith.subi %sign3A_111, %sign3A_114 : i32
    %ne3A_116 = vector.broadcast %sign3A_115 : i32 to vector<512x32xi32>
    %ne3A_117 = arith.cmpi ne, %sign3A_108, %ne3A_116 : vector<512x32xi32>
    %rem3A_118 = vector.broadcast %jit3A_97 : i32 to vector<512x32xi32>
    %rem3A_119 = arith.remsi %iota3A_0, %rem3A_118 : vector<512x32xi32>
    %ne3A_120 = arith.constant 0 : i32
    %ne3A_121 = vector.broadcast %ne3A_120 : i32 to vector<512x32xi32>
    %ne3A_122 = arith.cmpi ne, %rem3A_119, %ne3A_121 : vector<512x32xi32>
    %and3A_123 = arith.andi %ne3A_117, %ne3A_122 : vector<512x32xi1>
    %sub3A_124 = arith.constant 1 : i32
    %sub3A_125 = vector.broadcast %sub3A_124 : i32 to vector<512x32xi32>
    %sub3A_126 = arith.subi %div3A_99, %sub3A_125 : vector<512x32xi32>
    %select_n3A_127 = arith.select %and3A_123, %sub3A_126, %div3A_99 : vector<512x32xi1>, vector<512x32xi32>
    %eq3A_128 = arith.cmpi eq, %select_n3A_96, %select_n3A_127 : vector<512x32xi32>
    %and3A_129 = arith.andi %eq3A_65, %eq3A_128 : vector<512x32xi1>
    %jit3A_130 = arith.constant 16 : i32
    %eq3A_131 = arith.constant 0 : i32
    %eq3A_132 = arith.cmpi eq, %jit3A_130, %eq3A_131 : i32
    %jit3A_133 = arith.constant 1 : i32
    %select_n3A_134 = arith.select %eq3A_132, %jit3A_133, %jit3A_130 : i32
    %rem3A_135 = vector.broadcast %select_n3A_134 : i32 to vector<512x32xi32>
    %rem3A_136 = arith.remsi %select_n3A, %rem3A_135 : vector<512x32xi32>
    %ne3A_137 = arith.constant 0 : i32
    %ne3A_138 = vector.broadcast %ne3A_137 : i32 to vector<512x32xi32>
    %ne3A_139 = arith.cmpi ne, %rem3A_136, %ne3A_138 : vector<512x32xi32>
    %lt3A_140 = arith.constant 0 : i32
    %lt3A_141 = vector.broadcast %lt3A_140 : i32 to vector<512x32xi32>
    %lt3A_142 = arith.cmpi slt, %rem3A_136, %lt3A_141 : vector<512x32xi32>
    %lt3A_143 = arith.constant 0 : i32
    %lt3A_144 = arith.cmpi slt, %select_n3A_134, %lt3A_143 : i32
    %ne3A_145 = vector.broadcast %lt3A_144 : i1 to vector<512x32xi1>
    %ne3A_146 = vector.broadcast %ne3A_145 : vector<512x32xi1> to vector<512x32xi1>
    %ne3A_147 = arith.xori %lt3A_142, %ne3A_146 : vector<512x32xi1>
    %and3A_148 = arith.andi %ne3A_147, %ne3A_139 : vector<512x32xi1>
    %add3A_149 = vector.broadcast %select_n3A_134 : i32 to vector<512x32xi32>
    %add3A_150 = arith.addi %rem3A_136, %add3A_149 : vector<512x32xi32>
    %select_n3A_151 = arith.select %and3A_148, %add3A_150, %rem3A_136 : vector<512x32xi1>, vector<512x32xi32>
    %add3A_152 = arith.constant 127 : i32
    %add3A_153 = vector.broadcast %add3A_152 : i32 to vector<512x32xi32>
    %add3A_154 = arith.addi %select_n3A_151, %add3A_153 : vector<512x32xi32>
    %shift_left3A = arith.constant 23 : i32
    %shift_left3A_155 = vector.broadcast %shift_left3A : i32 to vector<512x32xi32>
    %shift_left3A_156 = arith.shli %add3A_154, %shift_left3A_155 : vector<512x32xi32>
    %bitcast_convert_type3A = tpu.bitcast %shift_left3A_156 : vector<512x32xi32> -> vector<512x32xf32>
    %jit3A_157 = arith.constant 0.000000e+00 : f32
    %broadcast_in_dim3A = vector.broadcast %jit3A_157 : f32 to vector<512x32xf32>
    %select_n3A_158 = arith.select %and3A_129, %bitcast_convert_type3A, %broadcast_in_dim3A : vector<512x32xi1>, vector<512x32xf32>
    %get3A = arith.constant 0 : index
    %get3A_159 = arith.constant 0 : index
    %get3A_160 = arith.constant 0 : index
    %get3A_161 = vector.load %arg1[%get3A, %get3A_159, %get3A_160] : memref<8x512x512xi8, #tpu.memory_space<vmem>>, vector<1x512x512xi8>
    %get3A_162 = vector.shape_cast %get3A_161 : vector<1x512x512xi8> to vector<512x512xi8>
    %convert_element_type3A = arith.uitofp %get3A_162 : vector<512x512xi8> to vector<512x512xf32>
    %dot_general3A = arith.constant dense<0.000000e+00> : vector<512x32xf32>
    %dot_general3A_163 = tpu.matmul %convert_element_type3A, %select_n3A_158, %dot_general3A {dimension_numbers = #tpu.dot_dimension_numbers<[1], [0], [0], [1], [0, 0, 1, 1], [], []>, transpose_lhs_hint = false} : vector<512x512xf32>, vector<512x32xf32>, vector<512x32xf32> -> vector<512x32xf32>
    %slice3A = vector.extract_strided_slice %dot_general3A_163 {offsets = [0, 0], sizes = [512, 16], strides = [1, 1]} : vector<512x32xf32> to vector<512x16xf32>
    %convert_element_type3A_164 = arith.fptosi %slice3A : vector<512x16xf32> to vector<512x16xi32>
    %slice3A_165 = vector.extract_strided_slice %dot_general3A_163 {offsets = [0, 16], sizes = [512, 16], strides = [1, 1]} : vector<512x32xf32> to vector<512x16xf32>
    %convert_element_type3A_166 = arith.fptosi %slice3A_165 : vector<512x16xf32> to vector<512x16xi32>
    %shift_left3A_167 = arith.constant 16 : i32
    %shift_left3A_168 = vector.broadcast %shift_left3A_167 : i32 to vector<512x16xi32>
    %shift_left3A_169 = arith.shli %convert_element_type3A_166, %shift_left3A_168 : vector<512x16xi32>
    %or3A = arith.ori %convert_element_type3A_164, %shift_left3A_169 : vector<512x16xi32>
    %bitcast_convert_type3A_170 = tpu.bitcast %or3A : vector<512x16xi32> -> vector<512x16xi32>
    %swap3A = arith.constant 0 : index
    %swap3A_171 = arith.constant 0 : index
    %swap3A_172 = vector.load %arg2[%swap3A, %swap3A_171] : memref<4096x16xi32, #tpu.memory_space<vmem>>, vector<512x16xi32>
    tpu.vector_store %arg2[%swap3A, %swap3A_171], %bitcast_convert_type3A_170 {strides = array<i32>} : memref<4096x16xi32, #tpu.memory_space<vmem>>, vector<512x16xi32>,
    %get3A_173 = arith.constant 1 : index
    %get3A_174 = arith.constant 0 : index
    %get3A_175 = arith.constant 0 : index
    %get3A_176 = vector.load %arg1[%get3A_173, %get3A_174, %get3A_175] : memref<8x512x512xi8, #tpu.memory_space<vmem>>, vector<1x512x512xi8>
    %get3A_177 = vector.shape_cast %get3A_176 : vector<1x512x512xi8> to vector<512x512xi8>
    %convert_element_type3A_178 = arith.uitofp %get3A_177 : vector<512x512xi8> to vector<512x512xf32>
    %dot_general3A_179 = arith.constant dense<0.000000e+00> : vector<512x32xf32>
    %dot_general3A_180 = tpu.matmul %convert_element_type3A_178, %select_n3A_158, %dot_general3A_179 {dimension_numbers = #tpu.dot_dimension_numbers<[1], [0], [0], [1], [0, 0, 1, 1], [], []>, transpose_lhs_hint = false} : vector<512x512xf32>, vector<512x32xf32>, vector<512x32xf32> -> vector<512x32xf32>
    %slice3A_181 = vector.extract_strided_slice %dot_general3A_180 {offsets = [0, 0], sizes = [512, 16], strides = [1, 1]} : vector<512x32xf32> to vector<512x16xf32>
    %convert_element_type3A_182 = arith.fptosi %slice3A_181 : vector<512x16xf32> to vector<512x16xi32>
    %slice3A_183 = vector.extract_strided_slice %dot_general3A_180 {offsets = [0, 16], sizes = [512, 16], strides = [1, 1]} : vector<512x32xf32> to vector<512x16xf32>
    %convert_element_type3A_184 = arith.fptosi %slice3A_183 : vector<512x16xf32> to vector<512x16xi32>
    %shift_left3A_185 = arith.constant 16 : i32
    %shift_left3A_186 = vector.broadcast %shift_left3A_185 : i32 to vector<512x16xi32>
    %shift_left3A_187 = arith.shli %convert_element_type3A_184, %shift_left3A_186 : vector<512x16xi32>
    %or3A_188 = arith.ori %convert_element_type3A_182, %shift_left3A_187 : vector<512x16xi32>
    %bitcast_convert_type3A_189 = tpu.bitcast %or3A_188 : vector<512x16xi32> -> vector<512x16xi32>
    %swap3A_190 = arith.constant 512 : index
    %swap3A_191 = arith.constant 0 : index
    %swap3A_192 = vector.load %arg2[%swap3A_190, %swap3A_191] : memref<4096x16xi32, #tpu.memory_space<vmem>>, vector<512x16xi32>
    tpu.vector_store %arg2[%swap3A_190, %swap3A_191], %bitcast_convert_type3A_189 {strides = array<i32>} : memref<4096x16xi32, #tpu.memory_space<vmem>>, vector<512x16xi32>,
    %get3A_193 = arith.constant 2 : index
    %get3A_194 = arith.constant 0 : index
    %get3A_195 = arith.constant 0 : index
    %get3A_196 = vector.load %arg1[%get3A_193, %get3A_194, %get3A_195] : memref<8x512x512xi8, #tpu.memory_space<vmem>>, vector<1x512x512xi8>
    %get3A_197 = vector.shape_cast %get3A_196 : vector<1x512x512xi8> to vector<512x512xi8>
    %convert_element_type3A_198 = arith.uitofp %get3A_197 : vector<512x512xi8> to vector<512x512xf32>
    %dot_general3A_199 = arith.constant dense<0.000000e+00> : vector<512x32xf32>
    %dot_general3A_200 = tpu.matmul %convert_element_type3A_198, %select_n3A_158, %dot_general3A_199 {dimension_numbers = #tpu.dot_dimension_numbers<[1], [0], [0], [1], [0, 0, 1, 1], [], []>, transpose_lhs_hint = false} : vector<512x512xf32>, vector<512x32xf32>, vector<512x32xf32> -> vector<512x32xf32>
    %slice3A_201 = vector.extract_strided_slice %dot_general3A_200 {offsets = [0, 0], sizes = [512, 16], strides = [1, 1]} : vector<512x32xf32> to vector<512x16xf32>
    %convert_element_type3A_202 = arith.fptosi %slice3A_201 : vector<512x16xf32> to vector<512x16xi32>
    %slice3A_203 = vector.extract_strided_slice %dot_general3A_200 {offsets = [0, 16], sizes = [512, 16], strides = [1, 1]} : vector<512x32xf32> to vector<512x16xf32>
    %convert_element_type3A_204 = arith.fptosi %slice3A_203 : vector<512x16xf32> to vector<512x16xi32>
    %shift_left3A_205 = arith.constant 16 : i32
    %shift_left3A_206 = vector.broadcast %shift_left3A_205 : i32 to vector<512x16xi32>
    %shift_left3A_207 = arith.shli %convert_element_type3A_204, %shift_left3A_206 : vector<512x16xi32>
    %or3A_208 = arith.ori %convert_element_type3A_202, %shift_left3A_207 : vector<512x16xi32>
    %bitcast_convert_type3A_209 = tpu.bitcast %or3A_208 : vector<512x16xi32> -> vector<512x16xi32>
    %swap3A_210 = arith.constant 1024 : index
    %swap3A_211 = arith.constant 0 : index
    %swap3A_212 = vector.load %arg2[%swap3A_210, %swap3A_211] : memref<4096x16xi32, #tpu.memory_space<vmem>>, vector<512x16xi32>
    tpu.vector_store %arg2[%swap3A_210, %swap3A_211], %bitcast_convert_type3A_209 {strides = array<i32>} : memref<4096x16xi32, #tpu.memory_space<vmem>>, vector<512x16xi32>,
    %get3A_213 = arith.constant 3 : index
    %get3A_214 = arith.constant 0 : index
    %get3A_215 = arith.constant 0 : index
    %get3A_216 = vector.load %arg1[%get3A_213, %get3A_214, %get3A_215] : memref<8x512x512xi8, #tpu.memory_space<vmem>>, vector<1x512x512xi8>
    %get3A_217 = vector.shape_cast %get3A_216 : vector<1x512x512xi8> to vector<512x512xi8>
    %convert_element_type3A_218 = arith.uitofp %get3A_217 : vector<512x512xi8> to vector<512x512xf32>
    %dot_general3A_219 = arith.constant dense<0.000000e+00> : vector<512x32xf32>
    %dot_general3A_220 = tpu.matmul %convert_element_type3A_218, %select_n3A_158, %dot_general3A_219 {dimension_numbers = #tpu.dot_dimension_numbers<[1], [0], [0], [1], [0, 0, 1, 1], [], []>, transpose_lhs_hint = false} : vector<512x512xf32>, vector<512x32xf32>, vector<512x32xf32> -> vector<512x32xf32>
    %slice3A_221 = vector.extract_strided_slice %dot_general3A_220 {offsets = [0, 0], sizes = [512, 16], strides = [1, 1]} : vector<512x32xf32> to vector<512x16xf32>
    %convert_element_type3A_222 = arith.fptosi %slice3A_221 : vector<512x16xf32> to vector<512x16xi32>
    %slice3A_223 = vector.extract_strided_slice %dot_general3A_220 {offsets = [0, 16], sizes = [512, 16], strides = [1, 1]} : vector<512x32xf32> to vector<512x16xf32>
    %convert_element_type3A_224 = arith.fptosi %slice3A_223 : vector<512x16xf32> to vector<512x16xi32>
    %shift_left3A_225 = arith.constant 16 : i32
    %shift_left3A_226 = vector.broadcast %shift_left3A_225 : i32 to vector<512x16xi32>
    %shift_left3A_227 = arith.shli %convert_element_type3A_224, %shift_left3A_226 : vector<512x16xi32>
    %or3A_228 = arith.ori %convert_element_type3A_222, %shift_left3A_227 : vector<512x16xi32>
    %bitcast_convert_type3A_229 = tpu.bitcast %or3A_228 : vector<512x16xi32> -> vector<512x16xi32>
    %swap3A_230 = arith.constant 1536 : index
    %swap3A_231 = arith.constant 0 : index
    %swap3A_232 = vector.load %arg2[%swap3A_230, %swap3A_231] : memref<4096x16xi32, #tpu.memory_space<vmem>>, vector<512x16xi32>
    tpu.vector_store %arg2[%swap3A_230, %swap3A_231], %bitcast_convert_type3A_229 {strides = array<i32>} : memref<4096x16xi32, #tpu.memory_space<vmem>>, vector<512x16xi32>,
    %get3A_233 = arith.constant 4 : index
    %get3A_234 = arith.constant 0 : index
    %get3A_235 = arith.constant 0 : index
    %get3A_236 = vector.load %arg1[%get3A_233, %get3A_234, %get3A_235] : memref<8x512x512xi8, #tpu.memory_space<vmem>>, vector<1x512x512xi8>
    %get3A_237 = vector.shape_cast %get3A_236 : vector<1x512x512xi8> to vector<512x512xi8>
    %convert_element_type3A_238 = arith.uitofp %get3A_237 : vector<512x512xi8> to vector<512x512xf32>
    %dot_general3A_239 = arith.constant dense<0.000000e+00> : vector<512x32xf32>
    %dot_general3A_240 = tpu.matmul %convert_element_type3A_238, %select_n3A_158, %dot_general3A_239 {dimension_numbers = #tpu.dot_dimension_numbers<[1], [0], [0], [1], [0, 0, 1, 1], [], []>, transpose_lhs_hint = false} : vector<512x512xf32>, vector<512x32xf32>, vector<512x32xf32> -> vector<512x32xf32>
    %slice3A_241 = vector.extract_strided_slice %dot_general3A_240 {offsets = [0, 0], sizes = [512, 16], strides = [1, 1]} : vector<512x32xf32> to vector<512x16xf32>
    %convert_element_type3A_242 = arith.fptosi %slice3A_241 : vector<512x16xf32> to vector<512x16xi32>
    %slice3A_243 = vector.extract_strided_slice %dot_general3A_240 {offsets = [0, 16], sizes = [512, 16], strides = [1, 1]} : vector<512x32xf32> to vector<512x16xf32>
    %convert_element_type3A_244 = arith.fptosi %slice3A_243 : vector<512x16xf32> to vector<512x16xi32>
    %shift_left3A_245 = arith.constant 16 : i32
    %shift_left3A_246 = vector.broadcast %shift_left3A_245 : i32 to vector<512x16xi32>
    %shift_left3A_247 = arith.shli %convert_element_type3A_244, %shift_left3A_246 : vector<512x16xi32>
    %or3A_248 = arith.ori %convert_element_type3A_242, %shift_left3A_247 : vector<512x16xi32>
    %bitcast_convert_type3A_249 = tpu.bitcast %or3A_248 : vector<512x16xi32> -> vector<512x16xi32>
    %swap3A_250 = arith.constant 2048 : index
    %swap3A_251 = arith.constant 0 : index
    %swap3A_252 = vector.load %arg2[%swap3A_250, %swap3A_251] : memref<4096x16xi32, #tpu.memory_space<vmem>>, vector<512x16xi32>
    tpu.vector_store %arg2[%swap3A_250, %swap3A_251], %bitcast_convert_type3A_249 {strides = array<i32>} : memref<4096x16xi32, #tpu.memory_space<vmem>>, vector<512x16xi32>,
    %get3A_253 = arith.constant 5 : index
    %get3A_254 = arith.constant 0 : index
    %get3A_255 = arith.constant 0 : index
    %get3A_256 = vector.load %arg1[%get3A_253, %get3A_254, %get3A_255] : memref<8x512x512xi8, #tpu.memory_space<vmem>>, vector<1x512x512xi8>
    %get3A_257 = vector.shape_cast %get3A_256 : vector<1x512x512xi8> to vector<512x512xi8>
    %convert_element_type3A_258 = arith.uitofp %get3A_257 : vector<512x512xi8> to vector<512x512xf32>
    %dot_general3A_259 = arith.constant dense<0.000000e+00> : vector<512x32xf32>
    %dot_general3A_260 = tpu.matmul %convert_element_type3A_258, %select_n3A_158, %dot_general3A_259 {dimension_numbers = #tpu.dot_dimension_numbers<[1], [0], [0], [1], [0, 0, 1, 1], [], []>, transpose_lhs_hint = false} : vector<512x512xf32>, vector<512x32xf32>, vector<512x32xf32> -> vector<512x32xf32>
    %slice3A_261 = vector.extract_strided_slice %dot_general3A_260 {offsets = [0, 0], sizes = [512, 16], strides = [1, 1]} : vector<512x32xf32> to vector<512x16xf32>
    %convert_element_type3A_262 = arith.fptosi %slice3A_261 : vector<512x16xf32> to vector<512x16xi32>
    %slice3A_263 = vector.extract_strided_slice %dot_general3A_260 {offsets = [0, 16], sizes = [512, 16], strides = [1, 1]} : vector<512x32xf32> to vector<512x16xf32>
    %convert_element_type3A_264 = arith.fptosi %slice3A_263 : vector<512x16xf32> to vector<512x16xi32>
    %shift_left3A_265 = arith.constant 16 : i32
    %shift_left3A_266 = vector.broadcast %shift_left3A_265 : i32 to vector<512x16xi32>
    %shift_left3A_267 = arith.shli %convert_element_type3A_264, %shift_left3A_266 : vector<512x16xi32>
    %or3A_268 = arith.ori %convert_element_type3A_262, %shift_left3A_267 : vector<512x16xi32>
    %bitcast_convert_type3A_269 = tpu.bitcast %or3A_268 : vector<512x16xi32> -> vector<512x16xi32>
    %swap3A_270 = arith.constant 2560 : index
    %swap3A_271 = arith.constant 0 : index
    %swap3A_272 = vector.load %arg2[%swap3A_270, %swap3A_271] : memref<4096x16xi32, #tpu.memory_space<vmem>>, vector<512x16xi32>
    tpu.vector_store %arg2[%swap3A_270, %swap3A_271], %bitcast_convert_type3A_269 {strides = array<i32>} : memref<4096x16xi32, #tpu.memory_space<vmem>>, vector<512x16xi32>,
    %get3A_273 = arith.constant 6 : index
    %get3A_274 = arith.constant 0 : index
    %get3A_275 = arith.constant 0 : index
    %get3A_276 = vector.load %arg1[%get3A_273, %get3A_274, %get3A_275] : memref<8x512x512xi8, #tpu.memory_space<vmem>>, vector<1x512x512xi8>
    %get3A_277 = vector.shape_cast %get3A_276 : vector<1x512x512xi8> to vector<512x512xi8>
    %convert_element_type3A_278 = arith.uitofp %get3A_277 : vector<512x512xi8> to vector<512x512xf32>
    %dot_general3A_279 = arith.constant dense<0.000000e+00> : vector<512x32xf32>
    %dot_general3A_280 = tpu.matmul %convert_element_type3A_278, %select_n3A_158, %dot_general3A_279 {dimension_numbers = #tpu.dot_dimension_numbers<[1], [0], [0], [1], [0, 0, 1, 1], [], []>, transpose_lhs_hint = false} : vector<512x512xf32>, vector<512x32xf32>, vector<512x32xf32> -> vector<512x32xf32>
    %slice3A_281 = vector.extract_strided_slice %dot_general3A_280 {offsets = [0, 0], sizes = [512, 16], strides = [1, 1]} : vector<512x32xf32> to vector<512x16xf32>
    %convert_element_type3A_282 = arith.fptosi %slice3A_281 : vector<512x16xf32> to vector<512x16xi32>
    %slice3A_283 = vector.extract_strided_slice %dot_general3A_280 {offsets = [0, 16], sizes = [512, 16], strides = [1, 1]} : vector<512x32xf32> to vector<512x16xf32>
    %convert_element_type3A_284 = arith.fptosi %slice3A_283 : vector<512x16xf32> to vector<512x16xi32>
    %shift_left3A_285 = arith.constant 16 : i32
    %shift_left3A_286 = vector.broadcast %shift_left3A_285 : i32 to vector<512x16xi32>
    %shift_left3A_287 = arith.shli %convert_element_type3A_284, %shift_left3A_286 : vector<512x16xi32>
    %or3A_288 = arith.ori %convert_element_type3A_282, %shift_left3A_287 : vector<512x16xi32>
    %bitcast_convert_type3A_289 = tpu.bitcast %or3A_288 : vector<512x16xi32> -> vector<512x16xi32>
    %swap3A_290 = arith.constant 3072 : index
    %swap3A_291 = arith.constant 0 : index
    %swap3A_292 = vector.load %arg2[%swap3A_290, %swap3A_291] : memref<4096x16xi32, #tpu.memory_space<vmem>>, vector<512x16xi32>
    tpu.vector_store %arg2[%swap3A_290, %swap3A_291], %bitcast_convert_type3A_289 {strides = array<i32>} : memref<4096x16xi32, #tpu.memory_space<vmem>>, vector<512x16xi32>,
    %get3A_293 = arith.constant 7 : index
    %get3A_294 = arith.constant 0 : index
    %get3A_295 = arith.constant 0 : index
    %get3A_296 = vector.load %arg1[%get3A_293, %get3A_294, %get3A_295] : memref<8x512x512xi8, #tpu.memory_space<vmem>>, vector<1x512x512xi8>
    %get3A_297 = vector.shape_cast %get3A_296 : vector<1x512x512xi8> to vector<512x512xi8>
    %convert_element_type3A_298 = arith.uitofp %get3A_297 : vector<512x512xi8> to vector<512x512xf32>
    %dot_general3A_299 = arith.constant dense<0.000000e+00> : vector<512x32xf32>
    %dot_general3A_300 = tpu.matmul %convert_element_type3A_298, %select_n3A_158, %dot_general3A_299 {dimension_numbers = #tpu.dot_dimension_numbers<[1], [0], [0], [1], [0, 0, 1, 1], [], []>, transpose_lhs_hint = false} : vector<512x512xf32>, vector<512x32xf32>, vector<512x32xf32> -> vector<512x32xf32>
    %slice3A_301 = vector.extract_strided_slice %dot_general3A_300 {offsets = [0, 0], sizes = [512, 16], strides = [1, 1]} : vector<512x32xf32> to vector<512x16xf32>
    %convert_element_type3A_302 = arith.fptosi %slice3A_301 : vector<512x16xf32> to vector<512x16xi32>
    %slice3A_303 = vector.extract_strided_slice %dot_general3A_300 {offsets = [0, 16], sizes = [512, 16], strides = [1, 1]} : vector<512x32xf32> to vector<512x16xf32>
    %convert_element_type3A_304 = arith.fptosi %slice3A_303 : vector<512x16xf32> to vector<512x16xi32>
    %shift_left3A_305 = arith.constant 16 : i32
    %shift_left3A_306 = vector.broadcast %shift_left3A_305 : i32 to vector<512x16xi32>
    %shift_left3A_307 = arith.shli %convert_element_type3A_304, %shift_left3A_306 : vector<512x16xi32>
    %or3A_308 = arith.ori %convert_element_type3A_302, %shift_left3A_307 : vector<512x16xi32>
    %bitcast_convert_type3A_309 = tpu.bitcast %or3A_308 : vector<512x16xi32> -> vector<512x16xi32>
    %swap3A_310 = arith.constant 3584 : index
    %swap3A_311 = arith.constant 0 : index
    %swap3A_312 = vector.load %arg2[%swap3A_310, %swap3A_311] : memref<4096x16xi32, #tpu.memory_space<vmem>>, vector<512x16xi32>
    tpu.vector_store %arg2[%swap3A_310, %swap3A_311], %bitcast_convert_type3A_309 {strides = array<i32>} : memref<4096x16xi32, #tpu.memory_space<vmem>>, vector<512x16xi32>,
    return
  }
  func.func @transform_0(%arg0: i32) -> (i32, i32, i32) {
    %c0_i32 = arith.constant 0 : i32
    %c0_i32_0 = arith.constant 0 : i32
    %c0_i32_1 = arith.constant 0 : i32
    %c0_i32_2 = arith.constant 0 : i32
    return %c0_i32, %c0_i32_0, %c0_i32_1 : i32, i32, i32
  }
  func.func @transform_1(%arg0: i32) -> (i32, i32) {
    %c0_i32 = arith.constant 0 : i32
    %c0_i32_0 = arith.constant 0 : i32
    %c0_i32_1 = arith.constant 0 : i32
    return %c0_i32, %c0_i32_0 : i32, i32
  }
}

module attributes {stable_mosaic.version = 14 : i64} {
  func.func @_finish_body(%arg0: memref<32x3x16xf32, #tpu.memory_space<vmem>>, %arg1: memref<8x3x128xf32, #tpu.memory_space<vmem>>, %arg2: memref<1x16xi32, #tpu.memory_space<vmem>>, %arg3: memref<1x1xf32, #tpu.memory_space<vmem>>) attributes {dimension_semantics = [], scalar_prefetch = 0 : i64, scratch_operands = 0 : i64, tpu.core_type = #tpu.core_type<tc>} {
    %get3A = arith.constant 0 : index
    %get3A_0 = arith.constant 0 : index
    %get3A_1 = arith.constant 0 : index
    %get3A_2 = vector.load %arg0[%get3A, %get3A_0, %get3A_1] : memref<32x3x16xf32, #tpu.memory_space<vmem>>, vector<8x3x16xf32>
    %get3A_3 = arith.constant 8 : index
    %get3A_4 = arith.constant 0 : index
    %get3A_5 = arith.constant 0 : index
    %get3A_6 = vector.load %arg0[%get3A_3, %get3A_4, %get3A_5] : memref<32x3x16xf32, #tpu.memory_space<vmem>>, vector<8x3x16xf32>
    %add3A = arith.addf %get3A_2, %get3A_6 : vector<8x3x16xf32>
    %get3A_7 = arith.constant 16 : index
    %get3A_8 = arith.constant 0 : index
    %get3A_9 = arith.constant 0 : index
    %get3A_10 = vector.load %arg0[%get3A_7, %get3A_8, %get3A_9] : memref<32x3x16xf32, #tpu.memory_space<vmem>>, vector<8x3x16xf32>
    %add3A_11 = arith.addf %add3A, %get3A_10 : vector<8x3x16xf32>
    %get3A_12 = arith.constant 24 : index
    %get3A_13 = arith.constant 0 : index
    %get3A_14 = arith.constant 0 : index
    %get3A_15 = vector.load %arg0[%get3A_12, %get3A_13, %get3A_14] : memref<32x3x16xf32, #tpu.memory_space<vmem>>, vector<8x3x16xf32>
    %add3A_16 = arith.addf %add3A_11, %get3A_15 : vector<8x3x16xf32>
    %slice3A = vector.extract_strided_slice %add3A_16 {offsets = [0, 0, 0], sizes = [8, 1, 16], strides = [1, 1, 1]} : vector<8x3x16xf32> to vector<8x1x16xf32>
    %squeeze3A = vector.shape_cast %slice3A : vector<8x1x16xf32> to vector<8x16xf32>
    %reduce_sum3A = arith.constant dense<0.000000e+00> : vector<8xf32>
    %reduce_sum3A_17 = vector.multi_reduction <add>, %squeeze3A, %reduce_sum3A [1] : vector<8x16xf32> to vector<8xf32>
    %broadcast_in_dim3A = vector.shape_cast %reduce_sum3A_17 : vector<8xf32> to vector<8x1xf32>
    %slice3A_18 = vector.extract_strided_slice %add3A_16 {offsets = [0, 1, 0], sizes = [8, 1, 16], strides = [1, 1, 1]} : vector<8x3x16xf32> to vector<8x1x16xf32>
    %squeeze3A_19 = vector.shape_cast %slice3A_18 : vector<8x1x16xf32> to vector<8x16xf32>
    %reduce_sum3A_20 = arith.constant dense<0.000000e+00> : vector<8xf32>
    %reduce_sum3A_21 = vector.multi_reduction <add>, %squeeze3A_19, %reduce_sum3A_20 [1] : vector<8x16xf32> to vector<8xf32>
    %broadcast_in_dim3A_22 = vector.shape_cast %reduce_sum3A_21 : vector<8xf32> to vector<8x1xf32>
    %slice3A_23 = vector.extract_strided_slice %add3A_16 {offsets = [0, 2, 0], sizes = [8, 1, 16], strides = [1, 1, 1]} : vector<8x3x16xf32> to vector<8x1x16xf32>
    %squeeze3A_24 = vector.shape_cast %slice3A_23 : vector<8x1x16xf32> to vector<8x16xf32>
    %reduce_sum3A_25 = arith.constant dense<0.000000e+00> : vector<8xf32>
    %reduce_sum3A_26 = vector.multi_reduction <add>, %squeeze3A_24, %reduce_sum3A_25 [1] : vector<8x16xf32> to vector<8xf32>
    %broadcast_in_dim3A_27 = vector.shape_cast %reduce_sum3A_26 : vector<8xf32> to vector<8x1xf32>
    %get3A_28 = arith.constant 0 : index
    %get3A_29 = arith.constant 0 : index
    %get3A_30 = arith.constant 0 : index
    %get3A_31 = vector.load %arg1[%get3A_28, %get3A_29, %get3A_30] : memref<8x3x128xf32, #tpu.memory_space<vmem>>, vector<8x3x128xf32>
    %slice3A_32 = vector.extract_strided_slice %get3A_31 {offsets = [0, 0, 0], sizes = [8, 1, 128], strides = [1, 1, 1]} : vector<8x3x128xf32> to vector<8x1x128xf32>
    %squeeze3A_33 = vector.shape_cast %slice3A_32 : vector<8x1x128xf32> to vector<8x128xf32>
    %reduce_sum3A_34 = arith.constant dense<0.000000e+00> : vector<8xf32>
    %reduce_sum3A_35 = vector.multi_reduction <add>, %squeeze3A_33, %reduce_sum3A_34 [1] : vector<8x128xf32> to vector<8xf32>
    %broadcast_in_dim3A_36 = vector.shape_cast %reduce_sum3A_35 : vector<8xf32> to vector<8x1xf32>
    %concatenate3A = tpu.concatenate %broadcast_in_dim3A, %broadcast_in_dim3A_36 in 0 : vector<8x1xf32>, vector<8x1xf32> -> vector<16x1xf32>
    %slice3A_37 = vector.extract_strided_slice %get3A_31 {offsets = [0, 1, 0], sizes = [8, 1, 128], strides = [1, 1, 1]} : vector<8x3x128xf32> to vector<8x1x128xf32>
    %squeeze3A_38 = vector.shape_cast %slice3A_37 : vector<8x1x128xf32> to vector<8x128xf32>
    %reduce_sum3A_39 = arith.constant dense<0.000000e+00> : vector<8xf32>
    %reduce_sum3A_40 = vector.multi_reduction <add>, %squeeze3A_38, %reduce_sum3A_39 [1] : vector<8x128xf32> to vector<8xf32>
    %broadcast_in_dim3A_41 = vector.shape_cast %reduce_sum3A_40 : vector<8xf32> to vector<8x1xf32>
    %concatenate3A_42 = tpu.concatenate %broadcast_in_dim3A_22, %broadcast_in_dim3A_41 in 0 : vector<8x1xf32>, vector<8x1xf32> -> vector<16x1xf32>
    %slice3A_43 = vector.extract_strided_slice %get3A_31 {offsets = [0, 2, 0], sizes = [8, 1, 128], strides = [1, 1, 1]} : vector<8x3x128xf32> to vector<8x1x128xf32>
    %squeeze3A_44 = vector.shape_cast %slice3A_43 : vector<8x1x128xf32> to vector<8x128xf32>
    %reduce_sum3A_45 = arith.constant dense<0.000000e+00> : vector<8xf32>
    %reduce_sum3A_46 = vector.multi_reduction <add>, %squeeze3A_44, %reduce_sum3A_45 [1] : vector<8x128xf32> to vector<8xf32>
    %broadcast_in_dim3A_47 = vector.shape_cast %reduce_sum3A_46 : vector<8xf32> to vector<8x1xf32>
    %concatenate3A_48 = tpu.concatenate %broadcast_in_dim3A_27, %broadcast_in_dim3A_47 in 0 : vector<8x1xf32>, vector<8x1xf32> -> vector<16x1xf32>
    %max3A = arith.constant 1.000000e+00 : f32
    %max3A_49 = vector.broadcast %max3A : f32 to vector<16x1xf32>
    %max3A_50 = arith.maximumf %concatenate3A_48, %max3A_49 : vector<16x1xf32>
    %gt3A = arith.constant 0.000000e+00 : f32
    %gt3A_51 = vector.broadcast %gt3A : f32 to vector<16x1xf32>
    %gt3A_52 = arith.cmpf ogt, %concatenate3A_48, %gt3A_51 : vector<16x1xf32>
    %div3A = arith.divf %concatenate3A, %max3A_50 : vector<16x1xf32>
    %jit3A = arith.constant 0.000000e+00 : f32
    %broadcast_in_dim3A_53 = vector.broadcast %jit3A : f32 to vector<16x1xf32>
    %select_n3A = arith.select %gt3A_52, %div3A, %broadcast_in_dim3A_53 : vector<16x1xi1>, vector<16x1xf32>
    %gt3A_54 = arith.constant 0.000000e+00 : f32
    %gt3A_55 = vector.broadcast %gt3A_54 : f32 to vector<16x1xf32>
    %gt3A_56 = arith.cmpf ogt, %concatenate3A_48, %gt3A_55 : vector<16x1xf32>
    %div3A_57 = arith.divf %concatenate3A_42, %max3A_50 : vector<16x1xf32>
    %mul3A = arith.mulf %select_n3A, %select_n3A : vector<16x1xf32>
    %sub3A = arith.subf %div3A_57, %mul3A : vector<16x1xf32>
    %jit3A_58 = arith.constant 0.000000e+00 : f32
    %broadcast_in_dim3A_59 = vector.broadcast %jit3A_58 : f32 to vector<16x1xf32>
    %select_n3A_60 = arith.select %gt3A_56, %sub3A, %broadcast_in_dim3A_59 : vector<16x1xi1>, vector<16x1xf32>
    %iota3A = tpu.iota {dimensions = array<i32: 0>} : vector<16x16xi32>
    %iota3A_61 = tpu.iota {dimensions = array<i32: 1>} : vector<16x16xi32>
    %eq3A = arith.cmpi eq, %iota3A, %iota3A_61 : vector<16x16xi32>
    %convert_element_type3A = arith.extui %eq3A : vector<16x16xi1> to vector<16x16xi32>
    %convert_element_type3A_62 = arith.sitofp %convert_element_type3A : vector<16x16xi32> to vector<16x16xf32>
    %broadcast_in_dim3A_63 = vector.shape_cast %select_n3A : vector<16x1xf32> to vector<16x1xf32>
    %broadcast_in_dim3A_64 = vector.broadcast %broadcast_in_dim3A_63 : vector<16x1xf32> to vector<16x16xf32>
    %mul3A_65 = arith.mulf %broadcast_in_dim3A_64, %convert_element_type3A_62 : vector<16x16xf32>
    %reduce_sum3A_66 = arith.constant dense<0.000000e+00> : vector<16xf32>
    %reduce_sum3A_67 = vector.multi_reduction <add>, %mul3A_65, %reduce_sum3A_66 [0] : vector<16x16xf32> to vector<16xf32>
    %broadcast_in_dim3A_68 = vector.shape_cast %reduce_sum3A_67 : vector<16xf32> to vector<1x16xf32>
    %sub3A_69 = vector.broadcast %broadcast_in_dim3A_68 : vector<1x16xf32> to vector<16x16xf32>
    %sub3A_70 = arith.subf %broadcast_in_dim3A_64, %sub3A_69 : vector<16x16xf32>
    %get3A_71 = arith.constant 0 : index
    %get3A_72 = arith.constant 0 : index
    %get3A_73 = vector.load %arg2[%get3A_71, %get3A_72] : memref<1x16xi32, #tpu.memory_space<vmem>>, vector<1x16xi32>
    %convert_element_type3A_74 = arith.sitofp %get3A_73 : vector<1x16xi32> to vector<1x16xf32>
    %broadcast_in_dim3A_75 = vector.shape_cast %convert_element_type3A_74 : vector<1x16xf32> to vector<1x16xf32>
    %broadcast_in_dim3A_76 = vector.broadcast %broadcast_in_dim3A_75 : vector<1x16xf32> to vector<16x16xf32>
    %mul3A_77 = arith.mulf %broadcast_in_dim3A_76, %convert_element_type3A_62 : vector<16x16xf32>
    %reduce_sum3A_78 = arith.constant dense<0.000000e+00> : vector<16xf32>
    %reduce_sum3A_79 = vector.multi_reduction <add>, %mul3A_77, %reduce_sum3A_78 [1] : vector<16x16xf32> to vector<16xf32>
    %broadcast_in_dim3A_80 = vector.shape_cast %reduce_sum3A_79 : vector<16xf32> to vector<16x1xf32>
    %broadcast_in_dim3A_81 = vector.shape_cast %broadcast_in_dim3A_80 : vector<16x1xf32> to vector<16x1xf32>
    %broadcast_in_dim3A_82 = vector.broadcast %broadcast_in_dim3A_81 : vector<16x1xf32> to vector<16x16xf32>
    %eq3A_83 = vector.broadcast %convert_element_type3A_74 : vector<1x16xf32> to vector<16x16xf32>
    %eq3A_84 = arith.cmpf oeq, %broadcast_in_dim3A_82, %eq3A_83 : vector<16x16xf32>
    %convert_element_type3A_85 = arith.extui %eq3A_84 : vector<16x16xi1> to vector<16x16xi32>
    %convert_element_type3A_86 = arith.sitofp %convert_element_type3A_85 : vector<16x16xi32> to vector<16x16xf32>
    %gt3A_87 = arith.cmpi sgt, %iota3A_61, %iota3A : vector<16x16xi32>
    %convert_element_type3A_88 = arith.extui %gt3A_87 : vector<16x16xi1> to vector<16x16xi32>
    %convert_element_type3A_89 = arith.sitofp %convert_element_type3A_88 : vector<16x16xi32> to vector<16x16xf32>
    %mul3A_90 = arith.mulf %sub3A_70, %sub3A_70 : vector<16x16xf32>
    %sub3A_91 = arith.constant 1.000000e+00 : f32
    %sub3A_92 = vector.broadcast %sub3A_91 : f32 to vector<16x16xf32>
    %sub3A_93 = arith.subf %sub3A_92, %mul3A_90 : vector<16x16xf32>
    %max3A_94 = arith.constant 0.000000e+00 : f32
    %max3A_95 = vector.broadcast %max3A_94 : f32 to vector<16x16xf32>
    %max3A_96 = arith.maximumf %sub3A_93, %max3A_95 : vector<16x16xf32>
    %mul3A_97 = arith.mulf %max3A_96, %convert_element_type3A_86 : vector<16x16xf32>
    %mul3A_98 = arith.mulf %mul3A_97, %convert_element_type3A_89 : vector<16x16xf32>
    %reduce_sum3A_99 = vector.shape_cast %mul3A_98 : vector<16x16xf32> to vector<1x16x16xf32>
    %reduce_sum3A_100 = arith.constant dense<0.000000e+00> : vector<1xf32>
    %reduce_sum3A_101 = vector.multi_reduction <add>, %reduce_sum3A_99, %reduce_sum3A_100 [1, 2] : vector<1x16x16xf32> to vector<1xf32>
    %reduce_sum3A_102 = vector.shape_cast %reduce_sum3A_101 : vector<1xf32> to vector<1x1x1xf32>
    %reduce_sum3A_103 = vector.extract %reduce_sum3A_102[0, 0, 0] : f32 from vector<1x1x1xf32>
    %mul3A_104 = arith.mulf %select_n3A, %select_n3A : vector<16x1xf32>
    %reduce_sum3A_105 = vector.shape_cast %mul3A_104 : vector<16x1xf32> to vector<1x16x1xf32>
    %reduce_sum3A_106 = arith.constant dense<0.000000e+00> : vector<1xf32>
    %reduce_sum3A_107 = vector.multi_reduction <add>, %reduce_sum3A_105, %reduce_sum3A_106 [1, 2] : vector<1x16x1xf32> to vector<1xf32>
    %reduce_sum3A_108 = vector.shape_cast %reduce_sum3A_107 : vector<1xf32> to vector<1x1x1xf32>
    %reduce_sum3A_109 = vector.extract %reduce_sum3A_108[0, 0, 0] : f32 from vector<1x1x1xf32>
    %div3A_110 = arith.constant 1.600000e+01 : f32
    %div3A_111 = arith.divf %reduce_sum3A_109, %div3A_110 : f32
    %reduce_sum3A_112 = vector.shape_cast %select_n3A_60 : vector<16x1xf32> to vector<1x16x1xf32>
    %reduce_sum3A_113 = arith.constant dense<0.000000e+00> : vector<1xf32>
    %reduce_sum3A_114 = vector.multi_reduction <add>, %reduce_sum3A_112, %reduce_sum3A_113 [1, 2] : vector<1x16x1xf32> to vector<1xf32>
    %reduce_sum3A_115 = vector.shape_cast %reduce_sum3A_114 : vector<1xf32> to vector<1x1x1xf32>
    %reduce_sum3A_116 = vector.extract %reduce_sum3A_115[0, 0, 0] : f32 from vector<1x1x1xf32>
    %div3A_117 = arith.constant 1.600000e+01 : f32
    %div3A_118 = arith.divf %reduce_sum3A_116, %div3A_117 : f32
    %add3A_119 = arith.addf %reduce_sum3A_103, %div3A_111 : f32
    %add3A_120 = arith.addf %add3A_119, %div3A_118 : f32
    %reshape3A = vector.broadcast %add3A_120 : f32 to vector<1x1xf32>
    %swap3A = arith.constant 0 : index
    %swap3A_121 = arith.constant 0 : index
    %swap3A_122 = vector.load %arg3[%swap3A, %swap3A_121] : memref<1x1xf32, #tpu.memory_space<vmem>>, vector<1x1xf32>
    tpu.vector_store %arg3[%swap3A, %swap3A_121], %reshape3A {strides = array<i32>} : memref<1x1xf32, #tpu.memory_space<vmem>>, vector<1x1xf32>,
    return
  }
}

module attributes {stable_mosaic.version = 14 : i64} {
  func.func @_tc_reduce_body(%arg0: i32, %arg1: memref<16xi32, #tpu.memory_space<smem>>, %arg2: memref<1x512x512xf32, #tpu.memory_space<vmem>>, %arg3: memref<1x512x512xi8, #tpu.memory_space<vmem>>, %arg4: memref<1x3x128xf32, #tpu.memory_space<vmem>>) attributes {dimension_semantics = [#tpu.dimension_semantics<arbitrary>], iteration_bounds = array<i64: 8>, scalar_prefetch = 1 : i64, scratch_operands = 0 : i64, tpu.core_type = #tpu.core_type<tc>, window_params = [{transform_indices = @transform_0, window_bounds = array<i64: 1, 512, 512>}, {transform_indices = @transform_1, window_bounds = array<i64: 1, 512, 512>}, {transform_indices = @transform_2, window_bounds = array<i64: 1, 3, 128>}]} {
    %get3A = arith.constant 0 : index
    %get3A_0 = arith.constant 0 : index
    %get3A_1 = arith.constant 0 : index
    %get3A_2 = vector.load %arg2[%get3A, %get3A_0, %get3A_1] : memref<1x512x512xf32, #tpu.memory_space<vmem>>, vector<1x512x512xf32>
    %get3A_3 = vector.shape_cast %get3A_2 : vector<1x512x512xf32> to vector<512x512xf32>
    %get3A_4 = arith.constant 0 : index
    %get3A_5 = arith.constant 0 : index
    %get3A_6 = arith.constant 0 : index
    %get3A_7 = vector.load %arg3[%get3A_4, %get3A_5, %get3A_6] : memref<1x512x512xi8, #tpu.memory_space<vmem>>, vector<1x512x512xi8>
    %get3A_8 = vector.shape_cast %get3A_7 : vector<1x512x512xi8> to vector<512x512xi8>
    %convert_element_type3A = arith.uitofp %get3A_8 : vector<512x512xi8> to vector<512x512xf32>
    %mul3A = arith.mulf %get3A_3, %convert_element_type3A : vector<512x512xf32>
    %reduce_sum3A = arith.constant dense<0.000000e+00> : vector<512xf32>
    %reduce_sum3A_9 = vector.multi_reduction <add>, %mul3A, %reduce_sum3A [0] : vector<512x512xf32> to vector<512xf32>
    %reshape3A = vector.shape_cast %reduce_sum3A_9 : vector<512xf32> to vector<4x128xf32>
    %reduce_sum3A_10 = arith.constant dense<0.000000e+00> : vector<128xf32>
    %reduce_sum3A_11 = vector.multi_reduction <add>, %reshape3A, %reduce_sum3A_10 [0] : vector<4x128xf32> to vector<128xf32>
    %swap3A = arith.constant 0 : index
    %swap3A_12 = arith.constant 0 : index
    %swap3A_13 = arith.constant 0 : index
    %swap3A_14 = vector.load %arg4[%swap3A, %swap3A_12, %swap3A_13] : memref<1x3x128xf32, #tpu.memory_space<vmem>>, vector<1x1x128xf32>
    %swap3A_15 = vector.shape_cast %swap3A_14 : vector<1x1x128xf32> to vector<128xf32>
    %swap3A_16 = vector.shape_cast %reduce_sum3A_11 : vector<128xf32> to vector<1x1x128xf32>
    tpu.vector_store %arg4[%swap3A, %swap3A_12, %swap3A_13], %swap3A_16 {strides = array<i32>} : memref<1x3x128xf32, #tpu.memory_space<vmem>>, vector<1x1x128xf32>,
    %mul3A_17 = arith.mulf %mul3A, %get3A_3 : vector<512x512xf32>
    %reduce_sum3A_18 = arith.constant dense<0.000000e+00> : vector<512xf32>
    %reduce_sum3A_19 = vector.multi_reduction <add>, %mul3A_17, %reduce_sum3A_18 [0] : vector<512x512xf32> to vector<512xf32>
    %reshape3A_20 = vector.shape_cast %reduce_sum3A_19 : vector<512xf32> to vector<4x128xf32>
    %reduce_sum3A_21 = arith.constant dense<0.000000e+00> : vector<128xf32>
    %reduce_sum3A_22 = vector.multi_reduction <add>, %reshape3A_20, %reduce_sum3A_21 [0] : vector<4x128xf32> to vector<128xf32>
    %swap3A_23 = arith.constant 0 : index
    %swap3A_24 = arith.constant 1 : index
    %swap3A_25 = arith.constant 0 : index
    %swap3A_26 = vector.load %arg4[%swap3A_23, %swap3A_24, %swap3A_25] : memref<1x3x128xf32, #tpu.memory_space<vmem>>, vector<1x1x128xf32>
    %swap3A_27 = vector.shape_cast %swap3A_26 : vector<1x1x128xf32> to vector<128xf32>
    %swap3A_28 = vector.shape_cast %reduce_sum3A_22 : vector<128xf32> to vector<1x1x128xf32>
    tpu.vector_store %arg4[%swap3A_23, %swap3A_24, %swap3A_25], %swap3A_28 {strides = array<i32>} : memref<1x3x128xf32, #tpu.memory_space<vmem>>, vector<1x1x128xf32>,
    %reduce_sum3A_29 = arith.constant dense<0.000000e+00> : vector<512xf32>
    %reduce_sum3A_30 = vector.multi_reduction <add>, %convert_element_type3A, %reduce_sum3A_29 [0] : vector<512x512xf32> to vector<512xf32>
    %reshape3A_31 = vector.shape_cast %reduce_sum3A_30 : vector<512xf32> to vector<4x128xf32>
    %reduce_sum3A_32 = arith.constant dense<0.000000e+00> : vector<128xf32>
    %reduce_sum3A_33 = vector.multi_reduction <add>, %reshape3A_31, %reduce_sum3A_32 [0] : vector<4x128xf32> to vector<128xf32>
    %swap3A_34 = arith.constant 0 : index
    %swap3A_35 = arith.constant 2 : index
    %swap3A_36 = arith.constant 0 : index
    %swap3A_37 = vector.load %arg4[%swap3A_34, %swap3A_35, %swap3A_36] : memref<1x3x128xf32, #tpu.memory_space<vmem>>, vector<1x1x128xf32>
    %swap3A_38 = vector.shape_cast %swap3A_37 : vector<1x1x128xf32> to vector<128xf32>
    %swap3A_39 = vector.shape_cast %reduce_sum3A_33 : vector<128xf32> to vector<1x1x128xf32>
    tpu.vector_store %arg4[%swap3A_34, %swap3A_35, %swap3A_36], %swap3A_39 {strides = array<i32>} : memref<1x3x128xf32, #tpu.memory_space<vmem>>, vector<1x1x128xf32>,
    return
  }
  func.func @transform_0(%arg0: i32, %arg1: memref<16xi32, #tpu.memory_space<smem>>) -> (i32, i32, i32) {
    %add3A = arith.constant 8 : i32
    %add3A_0 = arith.addi %arg0, %add3A : i32
    %get3A = arith.index_cast %add3A_0 : i32 to index
    %get3A_1 = memref.load %arg1[%get3A] : memref<16xi32, #tpu.memory_space<smem>>
    %c0_i32 = arith.constant 0 : i32
    %c0_i32_2 = arith.constant 0 : i32
    %c0_i32_3 = arith.constant 0 : i32
    return %get3A_1, %c0_i32, %c0_i32_2 : i32, i32, i32
  }
  func.func @transform_1(%arg0: i32, %arg1: memref<16xi32, #tpu.memory_space<smem>>) -> (i32, i32, i32) {
    %c0_i32 = arith.constant 0 : i32
    %c0_i32_0 = arith.constant 0 : i32
    %c0_i32_1 = arith.constant 0 : i32
    return %arg0, %c0_i32, %c0_i32_0 : i32, i32, i32
  }
  func.func @transform_2(%arg0: i32, %arg1: memref<16xi32, #tpu.memory_space<smem>>) -> (i32, i32, i32) {
    %c0_i32 = arith.constant 0 : i32
    %c0_i32_0 = arith.constant 0 : i32
    %c0_i32_1 = arith.constant 0 : i32
    return %arg0, %c0_i32, %c0_i32_0 : i32, i32, i32
  }
}

</mosaic_0001>

<sc_bundles>
// kernel: kernel.6.cloned.1.call-start
scs
__scs_entry_jumppad:
0x0: {  	(pc) =	sbr.rel $0x88, $3  }
0x1: {  	(tag) =	ssettag $0x0;
	lr =	simm.s32 $0x1  }
0x2: {  	[smem:$0x3F9E] =	sst lr;
	_ =	strace $0xD0000000  }
0x3: {  	_ = 	snop  }
0x4: {  	_ = 	snop  }
0x5: {  	_ = 	snop  }
0x6: {  	_ = 	snop  }
0x7: {  	_ = 	snop  }
__scs_overlays_trampoline_lowered:
0x8: {  	[smem:$0x3FAD] =	sst s0  }
0x9: {  	[smem:$0x3FAE] =	sst s1  }
0xa: {  	[smem:$0x3FAF] =	sst s2  }
0xb: {  	[smem:$0x3FB0] =	sst s3  }
0xc: {  	[smem:$0x3FB1] =	sst s4  }
0xd: {  	[smem:$0x3FB2] =	sst s5  }
0xe: {  	[smem:$0x3FB3] =	sst s6  }
0xf: {  	[smem:$0x3FB4] =	sst s7  }
0x10: {  	[smem:$0x3FB5] =	sst s8  }
0x11: {  	[smem:$0x3FB6] =	sst s9;
	s0 =	simm.s32 @!p0 $0x0  }
0x12: {  	s1 =	sld [smem:$0x3F9C];
	s0 =	simm.s32 @p0 $0x1  }
0x13: {  	[smem:$0x3FB7] =	sst s0;
	s0 =	simm.s32 @!p1 $0x0  }
0x14: {  	s2 =	sld [smem:$0x3F9B];
	s0 =	simm.s32 @p1 $0x1  }
0x15: {  	[smem:$0x3FB8] =	sst s0;
	s0 =	simm.s32 @!p2 $0x0  }
0x16: {  	s3 =	sld [smem:$0x3FDB];
	s0 =	simm.s32 @p2 $0x1  }
0x17: {  	s4 =	simm.s32 $0x1BF5;
	[smem:$0x3FBA] =	sst s0  }
0x18: {  	s0 =	sld [smem:$0x3F9D];
	_ =	swait.ge [sflag:s4], $0x0  }
0x19: {  	s7 =	sld [smem:$0x3F9E]  }
0x1a: {  	s8 =	sadd.s32 $0xFFFFE003, lr  }
0x1b: {  	s9 =	sadd.s32 $0xFFFFFEF7, lr;
	s5 =	simm.s32 $0xFFFFFFFF;
	p2 =	slt.u32 s8, $0xFFFFF086  }
0x1c: {  	p1 =	slt.u32 s9, $0xF7A;
	s5 =	simm.s32 @!p2 $0x0  }
0x1d: {  	s5 =	simm.s32 @p1 $0x1;
	p0 =	seq.s32 s7, s2  }
0x1e: {  	s7 =	smul.u32 @!p0 $0xF7A, s2;
	p2 =	seq.s32 @!p0 s5, $0x0  }
0x1f: {  	s9 =	smul.u32 $0xF7A, s1;
	s8 =	simm.s32 @!p0 $0x1BF5;
	p2 =	por !p2, p0  }
0x20: {  	[sflag:s8] =	ssyncset.s32 @!p0 $0xFFFFF086;
	s6 =	sadd.s32 @!p0 s3, s7;
	s7 =	simm.s32 @!p0 $0x108  }
0x21: {  	s3 =	sadd.s32 s3, s9;
	s6 =	sadd.s32 @!p0 $0x88, s6;
	s7 =	simm.s32 @p2 $0x1082  }
0x22: {  	[simem:s7], [sflag:s8] =	dma.local @!p0 [hbm:s6], $0xF7A  }
0x23: {  	s9 =	sor.u32 $0xD0000000, s2;
	s6 =	simm.s32 $0x108;
	_ =	swait.ge @!p0 [sflag:s8], $0x0  }
0x24: {  	s3 =	sadd.s32 $0x88, s3;
	s6 =	simm.s32 @!p1 $0x1082;
	[sflag:s4] =	ssyncset.s32 $0xFFFFF086  }
0x25: {  	[simem:s6], [sflag:s4] =	dma.local [hbm:s3], $0xF7A  }
0x26: {  	[smem:$0x3F9E] =	sst s1;
	(tag) =	ssettag s2;
	_ =	strace s9  }
0x27: {  	s1 =	sld [smem:$0x3FAE]  }
0x28: {  	s2 =	sld [smem:$0x3FAF]  }
0x29: {  	s4 =	sld [smem:$0x3FB1]  }
0x2a: {  	p0 =	seq.s32 s5, $0x0;
	s5 =	sld [smem:$0x3FB2]  }
0x2b: {  	s6 =	sld [smem:$0x3FB3]  }
0x2c: {  	s7 =	sld [smem:$0x3FB4]  }
0x2d: {  	s3 =	simm.s32 $0x108;
	s8 =	sld [smem:$0x3FB5]  }
0x2e: {  	s3 =	simm.s32 @!p0 $0x1082;
	s9 =	sld [smem:$0x3FB6]  }
0x2f: {  	lr =	sadd.s32 s0, s3;
	s0 =	sld [smem:$0x3FAD]  }
0x30: {  	s3 =	sld [smem:$0x3FB0]  }
0x31: {  	[smem:$0x3FB9] =	sst s10  }
0x32: {  	s10 =	sld [smem:$0x3FB7];
	_ =	sdelay $0x3  }
0x33: {  	p0 =	seq.s32 s10, $0x1;
	s10 =	sld [smem:$0x3FB9];
	_ =	sdelay $0x3  }
0x34: {  	[smem:$0x3FB9] =	sst s10  }
0x35: {  	s10 =	sld [smem:$0x3FB8];
	_ =	sdelay $0x3  }
0x36: {  	p1 =	seq.s32 s10, $0x1;
	s10 =	sld [smem:$0x3FB9];
	_ =	sdelay $0x3  }
0x37: {  	[smem:$0x3FB9] =	sst s10  }
0x38: {  	s10 =	sld [smem:$0x3FBA]  }
0x39: {  	_ = 	snop;
	(pc) =	sbr.ind lr, $3  }
0x3a: {  	_ = 	snop  }
0x3b: {  	_ = 	snop  }
0x3c: {  	p2 =	seq.s32 s10, $0x1;
	s10 =	sld [smem:$0x3FB9]  }
0x3d: {  	_ =	shalt  }
0x3e: {  	_ =	shalt  }
0x3f: {  	_ =	shalt  }
0x40: {  	_ =	shalt  }
0x41: {  	_ =	shalt  }
0x42: {  	_ =	shalt  }
0x43: {  	_ =	shalt  }
0x44: {  	_ =	shalt  }
0x45: {  	_ =	shalt  }
0x46: {  	_ =	shalt  }
0x47: {  	_ =	shalt  }
0x48: {  	_ =	shalt  }
0x49: {  	_ =	shalt  }
0x4a: {  	_ =	shalt  }
0x4b: {  	_ =	shalt  }
0x4c: {  	_ =	shalt  }
0x4d: {  	_ =	shalt  }
0x4e: {  	_ =	shalt  }
0x4f: {  	_ =	shalt  }
0x50: {  	_ =	shalt  }
0x51: {  	_ =	shalt  }
0x52: {  	_ =	shalt  }
0x53: {  	_ =	shalt  }
0x54: {  	_ =	shalt  }
0x55: {  	_ =	shalt  }
0x56: {  	_ =	shalt  }
0x57: {  	_ =	shalt  }
0x58: {  	_ =	shalt  }
0x59: {  	_ =	shalt  }
0x5a: {  	_ =	shalt  }
0x5b: {  	_ =	shalt  }
0x5c: {  	_ =	shalt  }
0x5d: {  	_ =	shalt  }
0x5e: {  	_ =	shalt  }
0x5f: {  	_ =	shalt  }
0x60: {  	_ =	shalt  }
0x61: {  	_ =	shalt  }
0x62: {  	_ =	shalt  }
0x63: {  	_ =	shalt  }
0x64: {  	_ =	shalt  }
0x65: {  	_ =	shalt  }
0x66: {  	_ =	shalt  }
0x67: {  	_ =	shalt  }
0x68: {  	_ =	shalt  }
0x69: {  	_ =	shalt  }
0x6a: {  	_ =	shalt  }
0x6b: {  	_ =	shalt  }
0x6c: {  	_ =	shalt  }
0x6d: {  	_ =	shalt  }
0x6e: {  	_ =	shalt  }
0x6f: {  	_ =	shalt  }
0x70: {  	_ =	shalt  }
0x71: {  	_ =	shalt  }
0x72: {  	_ =	shalt  }
0x73: {  	_ =	shalt  }
0x74: {  	_ =	shalt  }
0x75: {  	_ =	shalt  }
0x76: {  	_ =	shalt  }
0x77: {  	_ =	shalt  }
0x78: {  	_ =	shalt  }
0x79: {  	_ =	shalt  }
0x7a: {  	_ =	shalt  }
0x7b: {  	_ =	shalt  }
0x7c: {  	_ =	shalt  }
0x7d: {  	_ =	shalt  }
0x7e: {  	_ =	shalt  }
0x7f: {  	_ =	shalt  }
0x80: {  	_ =	shalt  }
0x81: {  	_ =	shalt  }
0x82: {  	_ =	shalt  }
0x83: {  	_ =	shalt  }
0x84: {  	_ =	shalt  }
0x85: {  	_ =	shalt  }
0x86: {  	_ =	shalt  }
0x87: {  	_ =	shalt  }
.Lfunc_end0:
.L_simem_size_0:
called_computation_lowered:
.L_overlay_start_0:
0x88: {  	s2 =	sld [smem:$0x3FD9]  }
0x89: {  	s3 =	sld [smem:$0x3FFE];
	_ =	sdelay $0x1  }
0x8a: {  	s1 =	srdreg.scid  }
0x8b: {  	s0 =	sand.u32 $0x1, s1  }
0x8c: {  	s17 =	sshll.u32 s0, $0xA;
	s2 =	sadd.s32 s3, s2  }
0x8d: {  	s2 =	sadd.s32 s2, s17  }
0x8e: {  	[smem:$0x3FC5] =	sst s2  }
0x8f: {  	_ = 	snop  }
0x90: {  	s2 =	sld [smem:$0x3FC9]  }
0x91: {  	s18 =	sld [smem:$0x3FC7];
	(tm) =	ssettm $0x1  }
0x92: {  	s4 =	sld [smem:$0x3FFB];
	_ =	sdelay $0x3  }
0x93: {  	_ =	strace s4  }
0x94: {  	s4 =	sld [smem:$0x3FFC];
	_ =	sdelay $0x3  }
0x95: {  	_ =	strace s4  }
0x96: {  	s4 =	sld [smem:$0x3FFD];
	_ =	sdelay $0x3  }
0x97: {  	_ =	strace s4  }
0x98: {  	_ =	strace $0x8FFFFFFF  }
0x99: {  	s19 =	sld [smem:$0x3FDB];
	_ =	sdelay $0x1  }
0x9a: {  	s5 =	simm.s32 $_scs_section_size  }
0x9b: {  	s6 =	simm.s32 $_size__tile_overlayer_lowered;
	s7 =	simm.s32 $_tile_overlayer_lowered  }
0x9c: {  	s22 =	simm.s32 $0x1BFF;
	s21 =	sshll.u32 s7, $0x1;
	s4 =	sadd.s32 s5, s19  }
0x9d: {  	s8 =	simm.s32 $0x0;
	s20 =	sshll.u32 s6, $0x1;
	s6 =	sadd.s32 s21, s4  }
0x9e: {  	[timem:s8], [sflag:s22] =	dma.local [hbm:s6], s20  }
0x9f: {  	_ =	swait.ge [sflag:s22], s20  }
0xa0: {  	s5 =	ssub.s32 $0x0, s20;
	[sflag:s22] =	ssyncset.done $0x0  }
0xa1: {  	[sflag:s22] =	ssyncadd.s32 s5;
	_ =	sdelay $0x1  }
0xa2: {  	s23 =	simm.s32 $0x1B8B  }
0xa3: {  	_ =	swait.ge [sflag:s23], $0x1  }
0xa4: {  	[sflag:s23] =	ssyncset.done $0x0  }
0xa5: {  	s25 =	simm.s32 $0x1B8E;
	s24 =	sld [smem:$0x3FFE];
	[sflag:s23] =	ssyncadd.s32 $0xFFFFFFFF  }
0xa6: {  	s26 =	simm.s32 $execute0_lowered;
	[smem:$0x3FD2] =	sst s25  }
0xa7: {  	s6 =	sshll.u32 s26, $0x1;
	_ =	strace $0x80000046;
	[dreg:$0x1] =	wrdreg $0xFFFFFFFF  }
0xa8: {  	s28 =	simm.s32 $_size_execute0_lowered;
	s4 =	sadd.s32 s4, s6;
	[dreg:$0x0] =	wrdreg $0x0  }
0xa9: {  	s6 =	sshll.u32 s28, $0x1;
	[dreg:$0x2] =	wrdreg s4  }
0xaa: {  	[dreg:$0x3] =	wrdreg s6  }
0xab: {  	[dreg:$0x4] =	wrdreg $0xC0  }
0xac: {  	_ =	task [dreg:s8], $0x5FFFF  }
0xad: {  	[dreg:$0x1] =	wrdreg $0xFFFFFFFF  }
0xae: {  	[dreg:$0x0] =	wrdreg $0x60  }
0xaf: {  	[dreg:$0x2] =	wrdreg s2  }
0xb0: {  	[dreg:$0x3] =	wrdreg s24  }
0xb1: {  	[dreg:$0x4] =	wrdreg s18  }
0xb2: {  	[dreg:$0x5] =	wrdreg $0x9  }
0xb3: {  	_ =	task.clear_ibuf [dreg:s8], $0x6FFFF;
	_ =	strace $0x90000046  }
0xb4: {  	s29 =	simm.s32 $0x9;
	_ =	strace $0x80000048  }
0xb5: {  	_ =	swait.ge [sflag:s29], $0x1  }
0xb6: {  	[sflag:s29] =	ssyncadd.s32 $0xFFFFFFFF  }
0xb7: {  	_ =	strace $0x90000048  }
0xb8: {  	_ =	sfence  }
0xb9: {  	s30 =	sld [smem:$0x0];
	_ =	sdelay $0x2  }
0xba: {  	s31 =	sshll.u32 s1, $0xD;
	s1 =	sshrl.u32 s1, $0x2  }
0xbb: {  	s3 =	sand.u32 $0x4000, s31;
	s1 =	sadd.s32 s1, s30  }
0xbc: {  	s0 =	sor.u32 s3, s0;
	s1 =	sshll.u32 s1, $0x11  }
0xbd: {  	s0 =	sor.u32 s1, s0  }
0xbe: {  	s0 =	sadd.s32 $0x8F2B, s0  }
0xbf: {  	[sflag:s0] =	ssyncadd.remote.s32 $0x1  }
0xc0: {  	_ =	sfence.sel $0xFFFF  }
0xc1: {  	[dreg:$0x0] =	wrdreg $0xFFFFFFFF;
	(pc) =	sbr.abs _section_cstart, $3  }
0xc2: {  	[dreg:$0x1] =	wrdreg $0xFFFFFFFF  }
0xc3: {  	_ =	task.clear_ibuf [dreg:s8], $0x2FFFF;
	_ =	strace $0x9FFFFFFF  }
0xc4: {  	(tm) =	ssettm $0x7FFFFFFF  }
0xc5: {  	_ =	shalt  }
tec
execute0_lowered:
.L_overlay_start_1:
0x0: {  	(tag) =	ssettag $0x1  }
0x1: {  	v0 =	vimm.s32 $0x3210  }
0x2: {  	v0 =	vunpack.c.l.s4.s8 v0  }
0x3: {  	s0 =	rddreg [dreg:$0x0];
	v1 =	vimm.s32 $0x83828180  }
0x4: {  	s5 =	rddreg [dreg:$0x1];
	s2 =	srdreg.scid;
	v1 =	vunpack.c.0.s8.s32 v1;
	v0 =	vunpack.c.0.s8.s32 v0  }
0x5: {  	s1 =	stileid.u32;
	s3 =	rddreg [dreg:$0x2];
	vm0 =	vcmask $0xF00;
	s4 =	simm.s32 $0x0  }
0x6: {  	s13 =	simm.s32 $0x0;
	s6 =	sand.u32 $0x1, s2;
	s2 =	rddreg [dreg:$0x3];
	v1 =	vand.u32 $0xFF, v1;
	v0 =	vnsel vm0, $0x183, v0;
	vm0 =	vcmask $0x1F10  }
0x7: {  	s7 =	sshll.u32 s1, $0x1;
	[smem:$0x7FF] =	sst s4;
	s9 =	sshrl.u32 s1, $0x1;
	v0 =	vsel vm0, v1, v0;
	vm0 =	vcmask $0x2320  }
0x8: {  	s7 =	sor.u32 s6, s7;
	_ =	strace $0x80000047;
	s10 =	sshll.u32 s9, $0x6;
	v0 =	vsel vm0, $0x100, v0;
	vm0 =	vcmask $0x2724  }
0x9: {  	s6 =	ssub.s32 $0x2, s6;
	s8 =	sshll.u32 s7, $0xB;
	s7 =	sand.u32 $0x3, s7;
	v0 =	vsel vm0, $0x101, v0;
	vm0 =	vcmask $0x2B28  }
0xa: {  	s10 =	sadd.s32 s10, s5;
	s29 =	sshrl.u32 s6, $0x1;
	s8 =	sadd.s32 s8, s5;
	v0 =	vsel vm0, $0x102, v0;
	vm0 =	vcmask $0x2F2C  }
0xb: {  	s11 =	sshll.u32 s7, $0x9;
	s12 =	ssub.s32 s6, s29;
	s31 =	sshll.u32 s7, $0x4;
	v1 =	vsel vm0, $0x103, v0;
	vm0 =	vcmask $0x3330  }
0xc: {  	s5 =	sadd.s32 $0xC00, s8;
	s30 =	sadd.s32 s11, s10;
	s7 =	smax.u32 s12, $0x1;
	v0 =	vmov s9;
	v2 =	vsel vm0, $0x180, v1;
	vm0 =	vcmask $0x3734  }
0xd: {  	s8 =	simm.s32 $0x3;
	s10 =	simm.s32 $0x4280;
	s11 =	simm.s32 $0x8280;
	v1 =	vlaneseq.u32;
	v3 =	vsel vm0, $0x181, v2;
	vm0 =	vcmask $0x3B38  }
0xe: {  	s12 =	simm.s32 $0xC280;
	s6 =	sadd.s32 $0x10C00, s30;
	s9 =	simm.s32 $0x80;
	v2 =	vor.u32 s31, v1;
	v3 =	vsel vm0, $0x182, v3;
	vm0 =	vmmov $0xf  }
.LBB2_1:
0xf: {  	[tilespmem:s4], [sflag:$0x3] =	stream.linear.gather [hbm4b:s3+s4], $0x80, $0x38;
	[tilespmem:$0xC480] =	vst v63  }
0x10: {  	_ =	swait.ge [sflag:s8], $0x80  }
0x11: {  	[sflag:s8] =	ssyncset.done $0x0  }
0x12: {  	s14 =	simm.s32 $0x280;
	[sflag:s8] =	ssyncadd.s32 $0xFFFFFF80  }
0x13: {  	[tilespmem:s14], [sflag:$0x3] =	stream.linear.gather [hbm4b:s5+s4], $0x4000, $0x38;
	[tilespmem:$0xC480] =	vst v63  }
0x14: {  	_ =	swait.ge [sflag:s8], $0x4000  }
0x15: {  	[sflag:s8] =	ssyncset.done $0x0  }
0x16: {  	[sflag:s8] =	ssyncadd.s32 $0xFFFFC000  }
0x17: {  	v4 =	vld.idx.msk [tilespmem:v0+s4+$0x0], $0xffff;
	_ =	sdelay $0x4  }
0x18: {  	v4 =	vshll.u32 v4, $0x6  }
0x19: {  	v4 =	vor.u32 v2, v4  }
0x1a: {  	[tilespmem:v3+s9+$0x0] =	vst.idx.msk $0xffff, v4  }
0x1b: {  	v4 =	vld.msk [tilespmem:$0x80], $0xf;
	_ =	sdelay $0x4  }
0x1c: {  	v4 =	vshll.u32 v4, $0xC  }
0x1d: {  	v4 =	vperm.xlane v4, v1;
	_ =	sdelay $0x5  }
0x1e: {  	[tilespmem:s10], [sflag:$0x1] =	stream.indirect_vreg.gather [hbm4b:s0+s4], $0x1000, v4, vm0, $0x38;
	[tilespmem:$0xC480] =	vst v63  }
0x1f: {  	v4 =	vld.msk [tilespmem:$0x100], $0xf;
	_ =	sdelay $0x4  }
0x20: {  	v4 =	vshll.u32 v4, $0xC  }
0x21: {  	v4 =	vperm.xlane v4, v1;
	_ =	sdelay $0x4  }
0x22: {  	s15 =	simm.s32 $0x0  }
0x23: {  	v7 =	vimm.f32 $0.0e+00;
	v8 =	vimm.f32 $0.0e+00;
	[tilespmem:s11], [sflag:$0x2] =	stream.indirect_vreg.gather [hbm4b:s0+s4], $0x1000, v4, vm0, $0x38;
	v4 =	vimm.s32 $0x0;
	[tilespmem:$0xC480] =	vst v63  }
.LBB2_2:
0x24: {  	s16 =	sand.u32 $0x1, s15;
	v5 =	vmov s14  }
0x25: {  	s17 =	sadd.s32 $0x1, s16  }
0x26: {  	s30 =	simm.s32 $0x0;
	_ =	swait.ge [sflag:s17], $0x4000  }
0x27: {  	s18 =	simm.s32 $0x0;
	s16 =	sshll.u32 s16, $0xE;
	[sflag:s17] =	ssyncset.done $0x0  }
0x28: {  	s19 =	sand.u32 $0x3000, s30;
	s16 =	sadd.s32 $0x4280, s16;
	[sflag:s17] =	ssyncadd.s32 $0xFFFFC000  }
0x29: {  	s31 =	sadd.s32 s19, s16;
	s17 =	sand.u32 $0x380, s30;
	v6 =	vld.idx.msk [tilespmem:v5+s18+$0x0 ss:$0x1], $0xffff  }
0x2a: {  	s17 =	sadd.s32 s17, s31  }
0x2b: {  	v9 =	vld [tilespmem:s17+$0x0];
	_ =	sdelay $0x1  }
0x2c: {  	v10 =	vld [tilespmem:s17+$0x10]  }
0x2d: {  	v11 =	vand.u32 $0x1, v6  }
0x2e: {  	v12 =	vpcnt v6;
	vm1 =	veq.s32 v11, $0x0;
	v11 =	vld [tilespmem:s17+$0x20]  }
0x2f: {  	v13 =	vand.u32 $0x2, v6;
	v4 =	vadd.s32 v4, v12;
	v9 =	vsel vm1, $0x0, v9  }
0x30: {  	v14 =	vld [tilespmem:s17+$0x30];
	vm1 =	veq.s32 v13, $0x0;
	v13 =	vand.u32 $0x4, v6;
	v12 =	vmul.f32 v9, v9  }
0x31: {  	v10 =	vsel vm1, $0x0, v10;
	vm1 =	veq.s32 v13, $0x0;
	v8 =	vadd.f32 v9, v8  }
0x32: {  	v13 =	vand.u32 $0x8, v6;
	v9 =	vmul.f32 v10, v10;
	v7 =	vadd.f32 v12, v7;
	v12 =	vld [tilespmem:s17+$0x40]  }
0x33: {  	v8 =	vadd.f32 v8, v10;
	v11 =	vsel vm1, $0x0, v11;
	vm1 =	veq.s32 v13, $0x0  }
0x34: {  	v10 =	vld [tilespmem:s17+$0x50];
	v13 =	vand.u32 $0x10, v6;
	v7 =	vadd.f32 v7, v9;
	v9 =	vmul.f32 v11, v11  }
0x35: {  	v14 =	vsel vm1, $0x0, v14;
	vm1 =	veq.s32 v13, $0x0;
	v8 =	vadd.f32 v8, v11  }
0x36: {  	v13 =	vand.u32 $0x20, v6;
	v11 =	vld [tilespmem:s17+$0x60];
	v7 =	vadd.f32 v7, v9;
	v9 =	vmul.f32 v14, v14  }
0x37: {  	v8 =	vadd.f32 v8, v14;
	v12 =	vsel vm1, $0x0, v12;
	vm1 =	veq.s32 v13, $0x0  }
0x38: {  	v14 =	vld [tilespmem:s17+$0x70];
	v13 =	vand.u32 $0x40, v6;
	v7 =	vadd.f32 v7, v9;
	v9 =	vmul.f32 v12, v12  }
0x39: {  	v10 =	vsel vm1, $0x0, v10;
	vm1 =	veq.s32 v13, $0x0;
	v13 =	vand.u32 $0x80, v6  }
0x3a: {  	v8 =	vadd.f32 v8, v12;
	v12 =	vld [tilespmem:s17+$0x400];
	v7 =	vadd.f32 v7, v9;
	v9 =	vmul.f32 v10, v10  }
0x3b: {  	v11 =	vsel vm1, $0x0, v11;
	vm1 =	veq.s32 v13, $0x0;
	v13 =	vand.u32 $0x100, v6  }
0x3c: {  	v8 =	vadd.f32 v8, v10;
	v10 =	vld [tilespmem:s17+$0x410];
	v7 =	vadd.f32 v7, v9;
	v9 =	vmul.f32 v11, v11  }
0x3d: {  	v14 =	vsel vm1, $0x0, v14;
	vm1 =	veq.s32 v13, $0x0;
	v13 =	vand.u32 $0x200, v6  }
0x3e: {  	v8 =	vadd.f32 v8, v11;
	v11 =	vld [tilespmem:s17+$0x420];
	v7 =	vadd.f32 v7, v9;
	v9 =	vmul.f32 v14, v14  }
0x3f: {  	v12 =	vsel vm1, $0x0, v12;
	vm1 =	veq.s32 v13, $0x0;
	v13 =	vand.u32 $0x400, v6  }
0x40: {  	v8 =	vadd.f32 v8, v14;
	v14 =	vld [tilespmem:s17+$0x430];
	v7 =	vadd.f32 v7, v9;
	v9 =	vmul.f32 v12, v12  }
0x41: {  	v10 =	vsel vm1, $0x0, v10;
	vm1 =	veq.s32 v13, $0x0;
	v13 =	vand.u32 $0x800, v6  }
0x42: {  	v8 =	vadd.f32 v8, v12;
	v12 =	vld [tilespmem:s17+$0x440];
	v7 =	vadd.f32 v7, v9;
	v9 =	vmul.f32 v10, v10  }
0x43: {  	v11 =	vsel vm1, $0x0, v11;
	vm1 =	veq.s32 v13, $0x0;
	v13 =	vand.u32 $0x1000, v6  }
0x44: {  	v8 =	vadd.f32 v8, v10;
	v10 =	vld [tilespmem:s17+$0x450];
	v7 =	vadd.f32 v7, v9;
	v9 =	vmul.f32 v11, v11  }
0x45: {  	v14 =	vsel vm1, $0x0, v14;
	vm1 =	veq.s32 v13, $0x0;
	v13 =	vand.u32 $0x2000, v6  }
0x46: {  	v8 =	vadd.f32 v8, v11;
	v11 =	vld [tilespmem:s17+$0x460];
	v7 =	vadd.f32 v7, v9;
	v9 =	vmul.f32 v14, v14  }
0x47: {  	v12 =	vsel vm1, $0x0, v12;
	vm1 =	veq.s32 v13, $0x0;
	v13 =	vand.u32 $0x4000, v6  }
0x48: {  	v8 =	vadd.f32 v8, v14;
	v14 =	vld [tilespmem:s17+$0x470];
	v7 =	vadd.f32 v7, v9;
	v9 =	vmul.f32 v12, v12  }
0x49: {  	v10 =	vsel vm1, $0x0, v10;
	vm1 =	veq.s32 v13, $0x0;
	v13 =	vand.u32 $0x8000, v6  }
0x4a: {  	v8 =	vadd.f32 v8, v12;
	v12 =	vld [tilespmem:s17+$0x800];
	v7 =	vadd.f32 v7, v9;
	v9 =	vmul.f32 v10, v10  }
0x4b: {  	v11 =	vsel vm1, $0x0, v11;
	vm1 =	veq.s32 v13, $0x0;
	v13 =	vand.u32 $0x10000, v6  }
0x4c: {  	v8 =	vadd.f32 v8, v10;
	v10 =	vld [tilespmem:s17+$0x810];
	v7 =	vadd.f32 v7, v9;
	v9 =	vmul.f32 v11, v11  }
0x4d: {  	v14 =	vsel vm1, $0x0, v14;
	vm1 =	veq.s32 v13, $0x0;
	v13 =	vand.u32 $0x20000, v6  }
0x4e: {  	v8 =	vadd.f32 v8, v11;
	v11 =	vld [tilespmem:s17+$0x820];
	v7 =	vadd.f32 v7, v9;
	v9 =	vmul.f32 v14, v14  }
0x4f: {  	v12 =	vsel vm1, $0x0, v12;
	vm1 =	veq.s32 v13, $0x0;
	v13 =	vand.u32 $0x40000, v6  }
0x50: {  	v8 =	vadd.f32 v8, v14;
	v14 =	vld [tilespmem:s17+$0x830];
	v7 =	vadd.f32 v7, v9;
	v9 =	vmul.f32 v12, v12  }
0x51: {  	v10 =	vsel vm1, $0x0, v10;
	vm1 =	veq.s32 v13, $0x0;
	v13 =	vand.u32 $0x80000, v6  }
0x52: {  	v8 =	vadd.f32 v8, v12;
	v12 =	vld [tilespmem:s17+$0x840];
	v7 =	vadd.f32 v7, v9;
	v9 =	vmul.f32 v10, v10  }
0x53: {  	v11 =	vsel vm1, $0x0, v11;
	vm1 =	veq.s32 v13, $0x0;
	v13 =	vand.u32 $0x100000, v6  }
0x54: {  	v8 =	vadd.f32 v8, v10;
	v10 =	vld [tilespmem:s17+$0x850];
	v7 =	vadd.f32 v7, v9;
	v9 =	vmul.f32 v11, v11  }
0x55: {  	v14 =	vsel vm1, $0x0, v14;
	vm1 =	veq.s32 v13, $0x0;
	v13 =	vand.u32 $0x200000, v6  }
0x56: {  	v8 =	vadd.f32 v8, v11;
	v11 =	vld [tilespmem:s17+$0x860];
	v7 =	vadd.f32 v7, v9;
	v9 =	vmul.f32 v14, v14  }
0x57: {  	v12 =	vsel vm1, $0x0, v12;
	vm1 =	veq.s32 v13, $0x0;
	v13 =	vand.u32 $0x400000, v6  }
0x58: {  	v8 =	vadd.f32 v8, v14;
	v14 =	vld [tilespmem:s17+$0x870];
	v7 =	vadd.f32 v7, v9;
	v9 =	vmul.f32 v12, v12  }
0x59: {  	v10 =	vsel vm1, $0x0, v10;
	vm1 =	veq.s32 v13, $0x0;
	v13 =	vand.u32 $0x800000, v6  }
0x5a: {  	v8 =	vadd.f32 v8, v12;
	v12 =	vld [tilespmem:s17+$0xC00];
	v7 =	vadd.f32 v7, v9;
	v9 =	vmul.f32 v10, v10  }
0x5b: {  	v11 =	vsel vm1, $0x0, v11;
	vm1 =	veq.s32 v13, $0x0;
	v13 =	vand.u32 $0x1000000, v6  }
0x5c: {  	v8 =	vadd.f32 v8, v10;
	v10 =	vld [tilespmem:s17+$0xC10];
	v7 =	vadd.f32 v7, v9;
	v9 =	vmul.f32 v11, v11  }
0x5d: {  	v14 =	vsel vm1, $0x0, v14;
	vm1 =	veq.s32 v13, $0x0;
	v13 =	vand.u32 $0x2000000, v6  }
0x5e: {  	v8 =	vadd.f32 v8, v11;
	v11 =	vld [tilespmem:s17+$0xC20];
	v7 =	vadd.f32 v7, v9;
	v9 =	vmul.f32 v14, v14  }
0x5f: {  	v12 =	vsel vm1, $0x0, v12;
	vm1 =	veq.s32 v13, $0x0;
	v13 =	vand.u32 $0x4000000, v6  }
0x60: {  	v8 =	vadd.f32 v8, v14;
	v14 =	vld [tilespmem:s17+$0xC30];
	v7 =	vadd.f32 v7, v9;
	v9 =	vmul.f32 v12, v12  }
0x61: {  	v10 =	vsel vm1, $0x0, v10;
	vm1 =	veq.s32 v13, $0x0;
	v13 =	vand.u32 $0x8000000, v6  }
0x62: {  	v15 =	vld [tilespmem:s17+$0xC40];
	v8 =	vadd.f32 v8, v12;
	v7 =	vadd.f32 v7, v9;
	v9 =	vmul.f32 v10, v10  }
0x63: {  	v12 =	vand.u32 $0x10000000, v6;
	v11 =	vsel vm1, $0x0, v11;
	vm1 =	veq.s32 v13, $0x0  }
0x64: {  	v13 =	vadd.f32 v8, v10;
	v8 =	vld [tilespmem:s17+$0xC50];
	v7 =	vadd.f32 v7, v9;
	v9 =	vmul.f32 v11, v11  }
0x65: {  	v16 =	vand.u32 $0x20000000, v6;
	v10 =	vsel vm1, $0x0, v14;
	vm1 =	veq.s32 v12, $0x0  }
0x66: {  	s20 =	simm.s32 $0x80;
	v12 =	vadd.f32 v13, v11;
	v14 =	vmul.f32 v10, v10;
	v13 =	vadd.f32 v7, v9;
	v9 =	vld [tilespmem:s17+$0xC60]  }
0x67: {  	s19 =	simm.s32 $0x200;
	s18 =	simm.s32 $0x80;
	v11 =	vsel vm1, $0x0, v15;
	vm1 =	veq.s32 v16, $0x0;
	v15 =	vand.u32 $0x40000000, v6;
	v7 =	vld.idx.msk [tilespmem:v5+s20+$0x0 ss:$0x1], $0xffff;
	s20 =	simm.s32 $0x100  }
.LBB2_3:
0x68: {  	p0 =	sne.s32 s20, $0xF80;
	s21 =	sand.u32 $0x3000, s19;
	v10 =	vadd.f32 v12, v10;
	v12 =	vadd.f32 v13, v14;
	v13 =	vmul.f32 v11, v11;
	v14 =	vld [tilespmem:s17+$0xC70]  }
0x69: {  	s17 =	sand.u32 $0x380, s18;
	s18 =	smov.u32 s20;
	s21 =	sadd.s32 s21, s16;
	v8 =	vsel vm1, $0x0, v8;
	vm1 =	veq.s32 v15, $0x0  }
0x6a: {  	s17 =	sadd.s32 s17, s21;
	v10 =	vadd.f32 v10, v11;
	v11 =	vadd.f32 v12, v13;
	v12 =	vmul.f32 v8, v8  }
0x6b: {  	v13 =	vld [tilespmem:s17+$0x0];
	v9 =	vsel vm1, $0x0, v9;
	vm1 =	vgt.s32 v6, $0xFFFFFFFF  }
0x6c: {  	v8 =	vadd.f32 v10, v8;
	v10 =	vadd.f32 v11, v12;
	v11 =	vmul.f32 v9, v9  }
0x6d: {  	v12 =	vand.u32 $0x1, v7;
	v16 =	vpcnt v7;
	v6 =	vmovc v7;
	v15 =	vld [tilespmem:s17+$0x10];
	v14 =	vsel vm1, $0x0, v14  }
0x6e: {  	v7 =	vadd.f32 v8, v9;
	v8 =	vadd.f32 v10, v11;
	v9 =	vmul.f32 v14, v14  }
0x6f: {  	vm1 =	veq.s32 v12, $0x0;
	v4 =	vadd.s32 v4, v16;
	v10 =	vand.u32 $0x2, v6;
	v11 =	vld [tilespmem:s17+$0x20]  }
0x70: {  	v12 =	vsel vm1, $0x0, v13;
	v7 =	vadd.f32 v7, v14;
	v8 =	vadd.f32 v8, v9  }
0x71: {  	vm1 =	veq.s32 v10, $0x0;
	v10 =	vand.u32 $0x4, v6;
	v9 =	vmul.f32 v12, v12;
	v13 =	vld [tilespmem:s17+$0x30]  }
0x72: {  	v14 =	vsel vm1, $0x0, v15;
	vm1 =	veq.s32 v10, $0x0;
	v10 =	vand.u32 $0x8, v6  }
0x73: {  	v7 =	vadd.f32 v12, v7;
	v8 =	vadd.f32 v9, v8;
	v9 =	vmul.f32 v14, v14;
	v12 =	vld [tilespmem:s17+$0x40]  }
0x74: {  	v11 =	vsel vm1, $0x0, v11;
	vm1 =	veq.s32 v10, $0x0;
	v10 =	vand.u32 $0x10, v6  }
0x75: {  	v7 =	vadd.f32 v7, v14;
	v8 =	vadd.f32 v8, v9;
	v9 =	vmul.f32 v11, v11;
	v14 =	vld [tilespmem:s17+$0x50]  }
0x76: {  	v13 =	vsel vm1, $0x0, v13;
	vm1 =	veq.s32 v10, $0x0;
	v10 =	vand.u32 $0x20, v6  }
0x77: {  	v7 =	vadd.f32 v7, v11;
	v8 =	vadd.f32 v8, v9;
	v9 =	vmul.f32 v13, v13;
	v11 =	vld [tilespmem:s17+$0x60]  }
0x78: {  	v12 =	vsel vm1, $0x0, v12;
	vm1 =	veq.s32 v10, $0x0;
	v10 =	vand.u32 $0x40, v6  }
0x79: {  	v7 =	vadd.f32 v7, v13;
	v8 =	vadd.f32 v8, v9;
	v9 =	vmul.f32 v12, v12;
	v13 =	vld [tilespmem:s17+$0x70]  }
0x7a: {  	v14 =	vsel vm1, $0x0, v14;
	vm1 =	veq.s32 v10, $0x0;
	v10 =	vand.u32 $0x80, v6  }
0x7b: {  	v7 =	vadd.f32 v7, v12;
	v8 =	vadd.f32 v8, v9;
	v9 =	vmul.f32 v14, v14;
	v12 =	vld [tilespmem:s17+$0x400]  }
0x7c: {  	v11 =	vsel vm1, $0x0, v11;
	vm1 =	veq.s32 v10, $0x0;
	v10 =	vand.u32 $0x100, v6  }
0x7d: {  	v7 =	vadd.f32 v7, v14;
	v8 =	vadd.f32 v8, v9;
	v9 =	vmul.f32 v11, v11;
	v14 =	vld [tilespmem:s17+$0x410]  }
0x7e: {  	v13 =	vsel vm1, $0x0, v13;
	vm1 =	veq.s32 v10, $0x0;
	v10 =	vand.u32 $0x200, v6  }
0x7f: {  	v7 =	vadd.f32 v7, v11;
	v8 =	vadd.f32 v8, v9;
	v9 =	vmul.f32 v13, v13;
	v11 =	vld [tilespmem:s17+$0x420]  }
0x80: {  	v12 =	vsel vm1, $0x0, v12;
	vm1 =	veq.s32 v10, $0x0;
	v10 =	vand.u32 $0x400, v6  }
0x81: {  	v7 =	vadd.f32 v7, v13;
	v8 =	vadd.f32 v8, v9;
	v9 =	vmul.f32 v12, v12;
	v13 =	vld [tilespmem:s17+$0x430]  }
0x82: {  	v14 =	vsel vm1, $0x0, v14;
	vm1 =	veq.s32 v10, $0x0;
	v10 =	vand.u32 $0x800, v6  }
0x83: {  	v7 =	vadd.f32 v7, v12;
	v8 =	vadd.f32 v8, v9;
	v9 =	vmul.f32 v14, v14;
	v12 =	vld [tilespmem:s17+$0x440]  }
0x84: {  	v11 =	vsel vm1, $0x0, v11;
	vm1 =	veq.s32 v10, $0x0;
	v10 =	vand.u32 $0x1000, v6  }
0x85: {  	v7 =	vadd.f32 v7, v14;
	v8 =	vadd.f32 v8, v9;
	v9 =	vmul.f32 v11, v11;
	v14 =	vld [tilespmem:s17+$0x450]  }
0x86: {  	v13 =	vsel vm1, $0x0, v13;
	vm1 =	veq.s32 v10, $0x0;
	v10 =	vand.u32 $0x2000, v6  }
0x87: {  	v7 =	vadd.f32 v7, v11;
	v8 =	vadd.f32 v8, v9;
	v9 =	vmul.f32 v13, v13;
	v11 =	vld [tilespmem:s17+$0x460]  }
0x88: {  	v12 =	vsel vm1, $0x0, v12;
	vm1 =	veq.s32 v10, $0x0;
	v10 =	vand.u32 $0x4000, v6  }
0x89: {  	v7 =	vadd.f32 v7, v13;
	v8 =	vadd.f32 v8, v9;
	v9 =	vmul.f32 v12, v12;
	v13 =	vld [tilespmem:s17+$0x470]  }
0x8a: {  	v14 =	vsel vm1, $0x0, v14;
	vm1 =	veq.s32 v10, $0x0;
	v10 =	vand.u32 $0x8000, v6  }
0x8b: {  	v7 =	vadd.f32 v7, v12;
	v8 =	vadd.f32 v8, v9;
	v9 =	vmul.f32 v14, v14;
	v12 =	vld [tilespmem:s17+$0x800]  }
0x8c: {  	v11 =	vsel vm1, $0x0, v11;
	vm1 =	veq.s32 v10, $0x0;
	v10 =	vand.u32 $0x10000, v6  }
0x8d: {  	v7 =	vadd.f32 v7, v14;
	v8 =	vadd.f32 v8, v9;
	v9 =	vmul.f32 v11, v11;
	v14 =	vld [tilespmem:s17+$0x810]  }
0x8e: {  	v13 =	vsel vm1, $0x0, v13;
	vm1 =	veq.s32 v10, $0x0;
	v10 =	vand.u32 $0x20000, v6  }
0x8f: {  	v7 =	vadd.f32 v7, v11;
	v8 =	vadd.f32 v8, v9;
	v9 =	vmul.f32 v13, v13;
	v11 =	vld [tilespmem:s17+$0x820]  }
0x90: {  	v12 =	vsel vm1, $0x0, v12;
	vm1 =	veq.s32 v10, $0x0;
	v10 =	vand.u32 $0x40000, v6  }
0x91: {  	v7 =	vadd.f32 v7, v13;
	v8 =	vadd.f32 v8, v9;
	v9 =	vmul.f32 v12, v12;
	v13 =	vld [tilespmem:s17+$0x830]  }
0x92: {  	v14 =	vsel vm1, $0x0, v14;
	vm1 =	veq.s32 v10, $0x0;
	v10 =	vand.u32 $0x80000, v6  }
0x93: {  	v7 =	vadd.f32 v7, v12;
	v8 =	vadd.f32 v8, v9;
	v9 =	vmul.f32 v14, v14;
	v12 =	vld [tilespmem:s17+$0x840]  }
0x94: {  	v11 =	vsel vm1, $0x0, v11;
	vm1 =	veq.s32 v10, $0x0;
	v10 =	vand.u32 $0x100000, v6  }
0x95: {  	v7 =	vadd.f32 v7, v14;
	v8 =	vadd.f32 v8, v9;
	v9 =	vmul.f32 v11, v11;
	v14 =	vld [tilespmem:s17+$0x850]  }
0x96: {  	v13 =	vsel vm1, $0x0, v13;
	vm1 =	veq.s32 v10, $0x0;
	v10 =	vand.u32 $0x200000, v6  }
0x97: {  	v7 =	vadd.f32 v7, v11;
	v8 =	vadd.f32 v8, v9;
	v9 =	vmul.f32 v13, v13;
	v11 =	vld [tilespmem:s17+$0x860]  }
0x98: {  	v12 =	vsel vm1, $0x0, v12;
	vm1 =	veq.s32 v10, $0x0;
	v10 =	vand.u32 $0x400000, v6  }
0x99: {  	v7 =	vadd.f32 v7, v13;
	v8 =	vadd.f32 v8, v9;
	v9 =	vmul.f32 v12, v12;
	v13 =	vld [tilespmem:s17+$0x870]  }
0x9a: {  	v14 =	vsel vm1, $0x0, v14;
	vm1 =	veq.s32 v10, $0x0;
	v10 =	vand.u32 $0x800000, v6  }
0x9b: {  	v7 =	vadd.f32 v7, v12;
	v8 =	vadd.f32 v8, v9;
	v9 =	vmul.f32 v14, v14;
	v12 =	vld [tilespmem:s17+$0xC00]  }
0x9c: {  	v11 =	vsel vm1, $0x0, v11;
	vm1 =	veq.s32 v10, $0x0;
	v10 =	vand.u32 $0x1000000, v6  }
0x9d: {  	v7 =	vadd.f32 v7, v14;
	v8 =	vadd.f32 v8, v9;
	v9 =	vmul.f32 v11, v11;
	v14 =	vld [tilespmem:s17+$0xC10]  }
0x9e: {  	v13 =	vsel vm1, $0x0, v13;
	vm1 =	veq.s32 v10, $0x0;
	v10 =	vand.u32 $0x2000000, v6  }
0x9f: {  	v7 =	vadd.f32 v7, v11;
	v8 =	vadd.f32 v8, v9;
	v9 =	vmul.f32 v13, v13;
	v11 =	vld [tilespmem:s17+$0xC20]  }
0xa0: {  	v12 =	vsel vm1, $0x0, v12;
	vm1 =	veq.s32 v10, $0x0;
	v10 =	vand.u32 $0x4000000, v6  }
0xa1: {  	v7 =	vadd.f32 v7, v13;
	v8 =	vadd.f32 v8, v9;
	v9 =	vmul.f32 v12, v12;
	v13 =	vld [tilespmem:s17+$0xC30]  }
0xa2: {  	v14 =	vsel vm1, $0x0, v14;
	vm1 =	veq.s32 v10, $0x0;
	v10 =	vand.u32 $0x8000000, v6  }
0xa3: {  	v7 =	vadd.f32 v7, v12;
	v8 =	vadd.f32 v8, v9;
	v9 =	vmul.f32 v14, v14;
	v15 =	vld [tilespmem:s17+$0xC40]  }
.Ltmp0:
0xa4: {  	v12 =	vand.u32 $0x10000000, v6;
	v11 =	vsel vm1, $0x0, v11;
	vm1 =	veq.s32 v10, $0x0;
	(pc) =	sbr.rel @p0 .LBB2_3-.Ltmp0, $4  }
0xa5: {  	v7 =	vadd.f32 v7, v14;
	v9 =	vadd.f32 v8, v9;
	v14 =	vmul.f32 v11, v11;
	v8 =	vld [tilespmem:s17+$0xC50]  }
0xa6: {  	s19 =	sadd.s32 $0x200, s19;
	v16 =	vand.u32 $0x20000000, v6;
	v10 =	vsel vm1, $0x0, v13;
	vm1 =	veq.s32 v12, $0x0  }
0xa7: {  	s21 =	sshra.s32 s19, $0x2;
	v12 =	vadd.f32 v7, v11;
	v13 =	vadd.f32 v9, v14;
	v14 =	vmul.f32 v10, v10;
	v9 =	vld [tilespmem:s17+$0xC60]  }
0xa8: {  	s20 =	sadd.s32 $0x80, s20;
	v7 =	vld.idx.msk [tilespmem:v5+s21+$0x0 ss:$0x1], $0xffff;
	v11 =	vsel vm1, $0x0, v15;
	vm1 =	veq.s32 v16, $0x0;
	v15 =	vand.u32 $0x40000000, v6  }
0xa9: {  	s19 =	sand.u32 $0x3000, s19;
	v5 =	vadd.f32 v12, v10  }
0xaa: {  	v10 =	vadd.f32 v13, v14;
	v25 =	vmul.f32 v11, v11;
	v26 =	vld [tilespmem:s17+$0xC70];
	s31 =	sand.u32 $0x380, s18;
	s16 =	sadd.s32 s19, s16  }
0xab: {  	v8 =	vsel vm1, $0x0, v8;
	s16 =	sadd.s32 s31, s16;
	v5 =	vadd.f32 v5, v11  }
0xac: {  	vm1 =	veq.s32 v15, $0x0;
	v10 =	vadd.f32 v10, v25;
	v11 =	vmul.f32 v8, v8;
	v27 =	vld [tilespmem:s16+$0x0]  }
0xad: {  	v9 =	vsel vm1, $0x0, v9;
	v5 =	vadd.f32 v5, v8  }
0xae: {  	vm1 =	vgt.s32 v6, $0xFFFFFFFF;
	v6 =	vadd.f32 v10, v11;
	v8 =	vmul.f32 v9, v9;
	v10 =	vld [tilespmem:s16+$0x10]  }
0xaf: {  	v11 =	vand.u32 $0x1, v7;
	v13 =	vsel vm1, $0x0, v26;
	v5 =	vadd.f32 v5, v9  }
0xb0: {  	vm1 =	veq.s32 v11, $0x0;
	v6 =	vadd.f32 v6, v8;
	v8 =	vmul.f32 v13, v13;
	v9 =	vld [tilespmem:s16+$0x20]  }
0xb1: {  	v11 =	vand.u32 $0x2, v7;
	v12 =	vsel vm1, $0x0, v27;
	v5 =	vadd.f32 v5, v13  }
0xb2: {  	v6 =	vadd.f32 v6, v8;
	vm1 =	veq.s32 v11, $0x0;
	v11 =	vld [tilespmem:s16+$0x30];
	v8 =	vmul.f32 v12, v12  }
0xb3: {  	v28 =	vand.u32 $0x4, v7;
	v10 =	vsel vm1, $0x0, v10;
	v5 =	vadd.f32 v12, v5  }
0xb4: {  	v29 =	vld [tilespmem:s16+$0x40];
	vm1 =	veq.s32 v28, $0x0;
	v6 =	vadd.f32 v8, v6;
	v8 =	vmul.f32 v10, v10  }
0xb5: {  	v30 =	vand.u32 $0x8, v7;
	v9 =	vsel vm1, $0x0, v9;
	v5 =	vadd.f32 v5, v10  }
0xb6: {  	vm1 =	veq.s32 v30, $0x0;
	v10 =	vld [tilespmem:s16+$0x50];
	v6 =	vadd.f32 v6, v8;
	v8 =	vmul.f32 v9, v9  }
0xb7: {  	v31 =	vand.u32 $0x10, v7;
	v11 =	vsel vm1, $0x0, v11;
	v5 =	vadd.f32 v5, v9  }
0xb8: {  	vm1 =	veq.s32 v31, $0x0;
	v9 =	vld [tilespmem:s16+$0x60];
	v6 =	vadd.f32 v6, v8;
	v8 =	vmul.f32 v11, v11  }
0xb9: {  	v32 =	vand.u32 $0x20, v7;
	v12 =	vsel vm1, $0x0, v29;
	v5 =	vadd.f32 v5, v11  }
0xba: {  	vm1 =	veq.s32 v32, $0x0;
	v11 =	vld [tilespmem:s16+$0x70];
	v6 =	vadd.f32 v6, v8;
	v8 =	vmul.f32 v12, v12  }
0xbb: {  	v33 =	vand.u32 $0x40, v7;
	v10 =	vsel vm1, $0x0, v10;
	v5 =	vadd.f32 v5, v12  }
0xbc: {  	v34 =	vld [tilespmem:s16+$0x400];
	vm1 =	veq.s32 v33, $0x0;
	v6 =	vadd.f32 v6, v8;
	v8 =	vmul.f32 v10, v10  }
0xbd: {  	v35 =	vand.u32 $0x80, v7;
	v9 =	vsel vm1, $0x0, v9;
	v5 =	vadd.f32 v5, v10  }
0xbe: {  	vm1 =	veq.s32 v35, $0x0;
	v10 =	vld [tilespmem:s16+$0x410];
	v6 =	vadd.f32 v6, v8;
	v8 =	vmul.f32 v9, v9  }
0xbf: {  	v36 =	vand.u32 $0x100, v7;
	v11 =	vsel vm1, $0x0, v11;
	v5 =	vadd.f32 v5, v9  }
0xc0: {  	vm1 =	veq.s32 v36, $0x0;
	v9 =	vld [tilespmem:s16+$0x420];
	v6 =	vadd.f32 v6, v8;
	v8 =	vmul.f32 v11, v11  }
0xc1: {  	v37 =	vand.u32 $0x200, v7;
	v12 =	vsel vm1, $0x0, v34;
	v5 =	vadd.f32 v5, v11  }
0xc2: {  	vm1 =	veq.s32 v37, $0x0;
	v11 =	vld [tilespmem:s16+$0x430];
	v6 =	vadd.f32 v6, v8;
	v8 =	vmul.f32 v12, v12  }
0xc3: {  	v38 =	vand.u32 $0x400, v7;
	v10 =	vsel vm1, $0x0, v10;
	v5 =	vadd.f32 v5, v12  }
0xc4: {  	v39 =	vld [tilespmem:s16+$0x440];
	vm1 =	veq.s32 v38, $0x0;
	v6 =	vadd.f32 v6, v8;
	v8 =	vmul.f32 v10, v10  }
0xc5: {  	v40 =	vand.u32 $0x800, v7;
	v9 =	vsel vm1, $0x0, v9;
	v5 =	vadd.f32 v5, v10  }
0xc6: {  	vm1 =	veq.s32 v40, $0x0;
	v10 =	vld [tilespmem:s16+$0x450];
	v6 =	vadd.f32 v6, v8;
	v8 =	vmul.f32 v9, v9  }
0xc7: {  	v41 =	vand.u32 $0x1000, v7;
	v11 =	vsel vm1, $0x0, v11;
	v5 =	vadd.f32 v5, v9  }
0xc8: {  	vm1 =	veq.s32 v41, $0x0;
	v9 =	vld [tilespmem:s16+$0x460];
	v6 =	vadd.f32 v6, v8;
	v8 =	vmul.f32 v11, v11  }
0xc9: {  	v42 =	vand.u32 $0x2000, v7;
	v12 =	vsel vm1, $0x0, v39;
	v5 =	vadd.f32 v5, v11  }
0xca: {  	vm1 =	veq.s32 v42, $0x0;
	v11 =	vld [tilespmem:s16+$0x470];
	v6 =	vadd.f32 v6, v8;
	v8 =	vmul.f32 v12, v12  }
0xcb: {  	v43 =	vand.u32 $0x4000, v7;
	v10 =	vsel vm1, $0x0, v10;
	v5 =	vadd.f32 v5, v12  }
0xcc: {  	v44 =	vld [tilespmem:s16+$0x800];
	vm1 =	veq.s32 v43, $0x0;
	v6 =	vadd.f32 v6, v8;
	v8 =	vmul.f32 v10, v10  }
0xcd: {  	v45 =	vand.u32 $0x8000, v7;
	v9 =	vsel vm1, $0x0, v9;
	v5 =	vadd.f32 v5, v10  }
0xce: {  	vm1 =	veq.s32 v45, $0x0;
	v10 =	vld [tilespmem:s16+$0x810];
	v6 =	vadd.f32 v6, v8;
	v8 =	vmul.f32 v9, v9  }
0xcf: {  	v46 =	vand.u32 $0x10000, v7;
	v11 =	vsel vm1, $0x0, v11;
	v5 =	vadd.f32 v5, v9  }
0xd0: {  	vm1 =	veq.s32 v46, $0x0;
	v9 =	vld [tilespmem:s16+$0x820];
	v6 =	vadd.f32 v6, v8;
	v8 =	vmul.f32 v11, v11  }
0xd1: {  	v47 =	vand.u32 $0x20000, v7;
	v12 =	vsel vm1, $0x0, v44;
	v5 =	vadd.f32 v5, v11  }
0xd2: {  	vm1 =	veq.s32 v47, $0x0;
	v11 =	vld [tilespmem:s16+$0x830];
	v6 =	vadd.f32 v6, v8;
	v8 =	vmul.f32 v12, v12  }
0xd3: {  	v48 =	vand.u32 $0x40000, v7;
	v10 =	vsel vm1, $0x0, v10;
	v5 =	vadd.f32 v5, v12  }
0xd4: {  	v49 =	vld [tilespmem:s16+$0x840];
	vm1 =	veq.s32 v48, $0x0;
	v6 =	vadd.f32 v6, v8;
	v8 =	vmul.f32 v10, v10  }
0xd5: {  	v50 =	vand.u32 $0x80000, v7;
	v9 =	vsel vm1, $0x0, v9;
	v5 =	vadd.f32 v5, v10  }
0xd6: {  	vm1 =	veq.s32 v50, $0x0;
	v10 =	vld [tilespmem:s16+$0x850];
	v6 =	vadd.f32 v6, v8;
	v8 =	vmul.f32 v9, v9  }
0xd7: {  	v51 =	vand.u32 $0x100000, v7;
	v11 =	vsel vm1, $0x0, v11;
	v5 =	vadd.f32 v5, v9  }
0xd8: {  	vm1 =	veq.s32 v51, $0x0;
	v9 =	vld [tilespmem:s16+$0x860];
	v6 =	vadd.f32 v6, v8;
	v8 =	vmul.f32 v11, v11  }
0xd9: {  	v52 =	vand.u32 $0x200000, v7;
	v12 =	vsel vm1, $0x0, v49;
	v5 =	vadd.f32 v5, v11  }
0xda: {  	vm1 =	veq.s32 v52, $0x0;
	v11 =	vld [tilespmem:s16+$0x870];
	v6 =	vadd.f32 v6, v8;
	v8 =	vmul.f32 v12, v12  }
0xdb: {  	v53 =	vand.u32 $0x400000, v7;
	v10 =	vsel vm1, $0x0, v10;
	v5 =	vadd.f32 v5, v12  }
0xdc: {  	v54 =	vld [tilespmem:s16+$0xC00];
	vm1 =	veq.s32 v53, $0x0;
	v6 =	vadd.f32 v6, v8;
	v8 =	vmul.f32 v10, v10  }
0xdd: {  	v55 =	vand.u32 $0x800000, v7;
	v9 =	vsel vm1, $0x0, v9;
	v5 =	vadd.f32 v5, v10  }
0xde: {  	vm1 =	veq.s32 v55, $0x0;
	v10 =	vld [tilespmem:s16+$0xC10];
	v6 =	vadd.f32 v6, v8;
	v8 =	vmul.f32 v9, v9  }
0xdf: {  	v56 =	vand.u32 $0x1000000, v7;
	v11 =	vsel vm1, $0x0, v11;
	v5 =	vadd.f32 v5, v9  }
0xe0: {  	vm1 =	veq.s32 v56, $0x0;
	v9 =	vld [tilespmem:s16+$0xC20];
	v6 =	vadd.f32 v6, v8;
	v8 =	vmul.f32 v11, v11  }
0xe1: {  	p0 =	sgt.u32 s15, $0x1;
	v57 =	vand.u32 $0x2000000, v7;
	v12 =	vsel vm1, $0x0, v54;
	v5 =	vadd.f32 v5, v11  }
0xe2: {  	s17 =	sshll.u32 @!p0 s15, $0x7;
	vm1 =	veq.s32 v57, $0x0;
	v11 =	vld [tilespmem:s16+$0xC30];
	v6 =	vadd.f32 v6, v8;
	v8 =	vmul.f32 v12, v12  }
0xe3: {  	s17 =	sand.u32 @!p0 $0x3FFFFF80, s17;
	v58 =	vand.u32 $0x4000000, v7;
	v10 =	vsel vm1, $0x0, v10;
	v5 =	vadd.f32 v5, v12  }
0xe4: {  	vm1 =	veq.s32 v58, $0x0;
	v12 =	vld.msk @!p0 [tilespmem:s17+$0x180], $0xf;
	v6 =	vadd.f32 v6, v8;
	v8 =	vmul.f32 v10, v10  }
0xe5: {  	v59 =	vand.u32 $0x8000000, v7;
	v9 =	vsel vm1, $0x0, v9;
	v5 =	vadd.f32 v5, v10  }
0xe6: {  	vm1 =	veq.s32 v59, $0x0;
	v6 =	vadd.f32 v6, v8;
	v8 =	vmul.f32 v9, v9  }
0xe7: {  	v10 =	vand.u32 $0x10000000, v7;
	v11 =	vsel vm1, $0x0, v11;
	v5 =	vadd.f32 v5, v9  }
0xe8: {  	v60 =	vld [tilespmem:s16+$0xC40];
	vm1 =	veq.s32 v10, $0x0;
	v6 =	vadd.f32 v6, v8;
	v8 =	vmul.f32 v11, v11  }
0xe9: {  	v10 =	vshll.u32 @!p0 v12, $0xC;
	v5 =	vadd.f32 v5, v11;
	v11 =	vlaneseq.u32 @!p0  }
0xea: {  	v61 =	vld [tilespmem:s16+$0xC50];
	v10 =	vperm.xlane @!p0 v10, v11;
	_ =	sdelay $0x1  }
0xeb: {  	v9 =	vld [tilespmem:s16+$0xC60]  }
0xec: {  	vm2 =	vmmov @!p0 $0xf;
	v62 =	vand.u32 $0x20000000, v7;
	v14 =	vsel vm1, $0x0, v60;
	v11 =	vld [tilespmem:s16+$0xC70];
	s16 =	sshll.u32 @!p0 s15, $0xE  }
0xed: {  	s18 =	simm.s32 @!p0 $0x0;
	vm1 =	veq.s32 v62, $0x0;
	v6 =	vadd.f32 v6, v8;
	v8 =	vmul.f32 v14, v14;
	s16 =	sand.u32 @!p0 $0x3FFFC000, s16  }
0xee: {  	v63 =	vand.u32 $0x40000000, v7;
	s17 =	sadd.s32 @!p0 $0x1, s15;
	v13 =	vsel vm1, $0x0, v61;
	s15 =	sadd.s32 $0x1, s15;
	v5 =	vadd.f32 v5, v14;
	s16 =	sadd.s32 @!p0 $0x4280, s16  }
0xef: {  	vm1 =	veq.s32 v63, $0x0;
	v6 =	vadd.f32 v6, v8;
	v8 =	vmul.f32 v13, v13;
	[tilespmem:s16], [sflag:s17] =	stream.indirect_vreg.gather @!p0 [hbm4b:s0+s18], $0x1000, v10, vm2, $0x38;
	[tilespmem:$0xC480] =	vst v63  }
0xf0: {  	v9 =	vsel vm1, $0x0, v9;
	vm1 =	vgt.s32 v7, $0xFFFFFFFF;
	p0 =	sne.s32 s15, $0x4  }
.Ltmp1:
0xf1: {  	v5 =	vadd.f32 v5, v13;
	v6 =	vadd.f32 v6, v8;
	v8 =	vmul.f32 v9, v9;
	(pc) =	sbr.rel @p0 .LBB2_2-.Ltmp1, $4  }
0xf2: {  	v11 =	vsel vm1, $0x0, v11  }
0xf3: {  	v5 =	vadd.f32 v5, v9;
	v6 =	vadd.f32 v6, v8;
	v9 =	vmul.f32 v11, v11  }
0xf4: {  	v7 =	vpcnt v7  }
0xf5: {  	s14 =	sadd.s32 $0x1000, s14;
	v4 =	vadd.s32 v4, v7;
	v8 =	vadd.f32 v5, v11;
	v7 =	vadd.f32 v6, v9  }
0xf6: {  	v5 =	vshrl.u32 v4, $0x10  }
0xf7: {  	v5 =	vcvt.s32.f32 v5  }
0xf8: {  	v4 =	vand.u32 $0xFFFF, v4  }
0xf9: {  	v4 =	vcvt.s32.f32 v4;
	v5 =	vmul.f32 $6.553600000e+04, v5;
	_ =	sdelay $0x1  }
0xfa: {  	s13 =	sadd.s32 $0x1, s13;
	[tilespmem:$0xC280] =	vst v8;
	v4 =	vadd.f32 v4, v5  }
0xfb: {  	[tilespmem:$0xC300] =	vst v7;
	p0 =	sne.s32 s13, s7  }
.Ltmp2:
0xfc: {  	[tilespmem:$0xC380] =	vst v4;
	(pc) =	sbr.rel @p0 .LBB2_1-.Ltmp2, $4  }
0xfd: {  	[hbm4b:s6+s4] =	stream.linear.scatter [tilespmem:s12], [sflag:$0x3], $0x180, $0x38;
	[tilespmem:$0xC480] =	vst v63  }
0xfe: {  	_ =	swait.ge [sflag:s8], $0x180  }
0xff: {  	[sflag:s8] =	ssyncset.done $0x0  }
0x100: {  	[sflag:s8] =	ssyncadd.s32 $0xFFFFFE80  }
0x101: {  	_ =	sfence.sel $0x180000  }
0x102: {  	[bflag:$0x0] =	sbarrier.arrive $0xFFFF  }
0x103: {  	p0 =	sne.s32 s1, $0x0;
	_ =	strace $0x90000047  }
0x104: {  	s0 =	sadd.s32 @!p0 $0x100000, s2;
	[bflag:$0x2] =	sbarrier.arrive $0xFFFF  }
0x105: {  	[sflag:s0] =	ssyncadd.tile.s32 @!p0 $0x1;
	_ =	shalt  }
.Lfunc_end2:
_tile_overlayer_lowered:
.L_overlay_start_2:
0x106: {  	(tag) =	ssettag $0x2  }
0x107: {  	s0 =	rddreg [dreg:$0x0];
	s2 =	stileid.u32  }
0x108: {  	s1 =	rddreg [dreg:$0x1];
	p0 =	sne.s32 s2, $0x0  }
0x109: {  	s3 =	rddreg [dreg:$0x2];
	[bflag:$0x3] =	sbarrier.arrive $0xFFFF;
	s2 =	simm.s32 @!p0 $0x1C03  }
0x10a: {  	[timem:s3], [sflag:s2] =	dma.local @!p0 [hbm:s0], s1  }
0x10b: {  	s0 =	simm.s32 @!p0 $0x3  }
0x10c: {  	_ =	swait.ge @!p0 [sflag:s0], s1  }
0x10d: {  	s1 =	ssub.s32 @!p0 $0x0, s1;
	[sflag:s0] =	ssyncset.done @!p0 $0x0  }
0x10e: {  	[sflag:s0] =	ssyncadd.s32 @!p0 s1  }
0x10f: {  	[bflag:$0x3] =	sbarrier.arrive $0xFFFF  }
0x110: {  	_ =	shalt  }

</sc_bundles>
